<compile_context>
chip_gen: v7x
topology: tpu7x:2x2x1
jax: 0.10.2.dev20260603
libtpu: 0.0.44.dev20260713+nightly
codegen_flags: <defaults>
</compile_context>

<pallas_src>
import functools

import jax
import jax.numpy as jnp
from jax import lax
from jax.experimental import pallas as pl
from jax.experimental.pallas import tpu as pltpu
from jax.experimental.pallas import tpu_sc as plsc

N_ANCHORS = 1024
DIM = 128
K = 10
MARGIN = 0.5
NEG_FILL = -3.0
BLOCK_W = 4000
N_BLOCKS = 100000 // BLOCK_W


def _make_sc_gather():
    info = plsc.get_sparse_core_info()
    nc, ns = info.num_cores, info.num_subcores
    nw = nc * ns
    b_per_w = N_ANCHORS // nw

    mesh = plsc.VectorSubcoreMesh(core_axis_name="c", subcore_axis_name="s")

    @functools.partial(
        pl.kernel,
        mesh=mesh,
        out_type=[
            jax.ShapeDtypeStruct((N_ANCHORS, DIM), jnp.float32),
            jax.ShapeDtypeStruct((N_ANCHORS, DIM), jnp.float32),
        ],
        scratch_types=[
            pltpu.VMEM((b_per_w,), jnp.int32),
            pltpu.VMEM((b_per_w,), jnp.int32),
            pltpu.VMEM((b_per_w, DIM), jnp.float32),
            pltpu.VMEM((b_per_w, DIM), jnp.float32),
            pltpu.SemaphoreType.DMA,
            pltpu.SemaphoreType.DMA,
        ],
    )
    def sc_gather(idx1_hbm, idx2_hbm, t1_hbm, t2_hbm, o1_hbm, o2_hbm,
                  idx1_v, idx2_v, rows1_v, rows2_v, sem1, sem2):
        wid = lax.axis_index("s") * nc + lax.axis_index("c")
        base = wid * b_per_w
        pltpu.sync_copy(idx1_hbm.at[pl.ds(base, b_per_w)], idx1_v)
        pltpu.sync_copy(idx2_hbm.at[pl.ds(base, b_per_w)], idx2_v)
        cp1 = pltpu.async_copy(t1_hbm.at[idx1_v], rows1_v, sem1)
        cp2 = pltpu.async_copy(t2_hbm.at[idx2_v], rows2_v, sem2)
        cp1.wait()
        cp2.wait()
        pltpu.sync_copy(rows1_v, o1_hbm.at[pl.ds(base, b_per_w)])
        pltpu.sync_copy(rows2_v, o2_hbm.at[pl.ds(base, b_per_w)])

    return sc_gather


_sc_gather_cache = []


def _sc_gather(anchor1, anchor2, out1, out2):
    if not _sc_gather_cache:
        _sc_gather_cache.append(_make_sc_gather())
    return _sc_gather_cache[0](anchor1, anchor2, out1, out2)


N_TILES = (BLOCK_W + 127) // 128
RCHUNK = 64


def _tc_side_body(anc_in_ref, oth_ref, tbl_ref, out_ref, anc_ref,
                  a0_ref, b0_ref, a1_ref, b1_ref):
    j = pl.program_id(0)
    last = N_BLOCKS - 1

    def _normalize_bf16(x):
        nrm = jnp.maximum(
            jnp.sqrt(jnp.sum(x * x, axis=1, keepdims=True)), 1e-12)
        return (x / nrm).astype(jnp.bfloat16)

    @pl.when(j == 0)
    def _init():
        anc_ref[...] = _normalize_bf16(anc_in_ref[...])
        fill = jnp.full((N_ANCHORS, 128), NEG_FILL, jnp.float32)
        a0_ref[...] = fill
        b0_ref[...] = fill
        a1_ref[...] = fill
        b1_ref[...] = fill

    blkn = _normalize_bf16(tbl_ref[...])
    sims = lax.dot_general(
        anc_ref[...], blkn, (((1,), (1,)), ((), ())),
        preferred_element_type=jnp.float32)
    pad = jnp.full((N_ANCHORS, 128 - (BLOCK_W - (N_TILES - 1) * 128)),
                   NEG_FILL, jnp.float32)
    pa = [a0_ref[...], a1_ref[...]]
    pb = [b0_ref[...], b1_ref[...]]
    for t in range(N_TILES):
        lo = t * 128
        hi = min(lo + 128, BLOCK_W)
        tile = sims[:, lo:hi]
        if hi - lo < 128:
            tile = jnp.concatenate([tile, pad], axis=1)
        p = t & 1
        rr = jnp.minimum(pa[p], tile)
        pa[p] = jnp.maximum(pa[p], tile)
        pb[p] = jnp.maximum(pb[p], rr)
    a0_ref[...] = pa[0]
    a1_ref[...] = pa[1]
    b0_ref[...] = pb[0]
    b1_ref[...] = pb[1]

    @pl.when(j == last)
    def _side_loss():
        x1 = anc_in_ref[...]
        x2 = oth_ref[...]
        num = jnp.sum(x1 * x2, axis=1, keepdims=True)
        den = (jnp.sqrt(jnp.sum(x1 * x1, axis=1, keepdims=True)) *
               jnp.sqrt(jnp.sum(x2 * x2, axis=1, keepdims=True)))
        d_m1 = (1.0 + MARGIN - num / den) - 1.0
        cands = [a0_ref[...], a1_ref[...], b0_ref[...], b1_ref[...]]
        tot = jnp.zeros((N_ANCHORS, 1), jnp.float32)
        for _ in range(K):
            m = None
            for cd in cands:
                mm = jnp.max(cd, axis=1, keepdims=True)
                m = mm if m is None else jnp.maximum(m, mm)
            tot += jnp.maximum(d_m1 + m, 0.0)
            cands = [jnp.where(cd == m, NEG_FILL, cd) for cd in cands]
        out_ref[...] = jnp.broadcast_to(
            jnp.sum(tot) / (N_ANCHORS * K), (1, 1))


def _tc_side_loss(anchors, others, table):
    return pl.pallas_call(
        _tc_side_body,
        grid=(N_BLOCKS,),
        in_specs=[
            pl.BlockSpec((N_ANCHORS, DIM), lambda j: (0, 0)),
            pl.BlockSpec((N_ANCHORS, DIM), lambda j: (0, 0)),
            pl.BlockSpec((BLOCK_W, DIM), lambda j: (j, 0)),
        ],
        out_specs=pl.BlockSpec((1, 1), lambda j: (0, 0)),
        out_shape=jax.ShapeDtypeStruct((1, 1), jnp.float32),
        scratch_shapes=[
            pltpu.VMEM((N_ANCHORS, DIM), jnp.bfloat16),
            pltpu.VMEM((N_ANCHORS, 128), jnp.float32),
            pltpu.VMEM((N_ANCHORS, 128), jnp.float32),
            pltpu.VMEM((N_ANCHORS, 128), jnp.float32),
            pltpu.VMEM((N_ANCHORS, 128), jnp.float32),
        ],
    )(anchors, others, table)


def kernel(out1, out2, anchor_links):
    anchor1 = anchor_links[:, 0].astype(jnp.int32)
    anchor2 = anchor_links[:, 1].astype(jnp.int32)
    a1, a2 = _sc_gather(anchor1, anchor2, out1, out2)
    p1 = _tc_side_loss(a1, a2, out2)
    p2 = _tc_side_loss(a2, a1, out1)
    return p1[0, 0] + p2[0, 0]

# --- scband reference (transcript-rebuilt; emitter-appended) ---
"""Pipeline reference for scband-marginal-ranking-loss-70669391888899 (READ-ONLY COPY).

The authoritative reference and input builder live on the scoring server;
editing this copy changes nothing except your own understanding.
"""

import jax, jax.numpy as jnp
import numpy as np

K = 10
MARGIN = 0.5


def _pairwise_cos_dist(e1, e2):
    n1 = jnp.maximum(jnp.linalg.norm(e1, axis=1, keepdims=True), 1e-12)
    n2 = jnp.maximum(jnp.linalg.norm(e2, axis=1, keepdims=True), 1e-12)
    e1n = e1 / n1
    e2n = e2 / n2
    return 1.0 - e1n @ e2n.T


def _rowwise_cos_dist(e1, e2):
    num = jnp.sum(e1 * e2, axis=1)
    den = jnp.linalg.norm(e1, axis=1) * jnp.linalg.norm(e2, axis=1)
    return 1.0 - num / den


def setup_inputs(seed: int = 0) -> dict:
    key = jax.random.key(seed)
    k1, k2, k3 = jax.random.split(key, 3)
    out1 = jax.random.normal(k1, (100000, 128), dtype=jnp.float32)
    out2 = jax.random.normal(k2, (100000, 128), dtype=jnp.float32)
    anchor_links = jax.random.randint(k3, (1024, 2), 0, 100000, dtype=jnp.int64)
    return {"out1": out1, "out2": out2, "anchor_links": anchor_links}


def reference(out1, out2, anchor_links):
    anchor1 = anchor_links[:, 0]
    anchor2 = anchor_links[:, 1]

    # neg sampling (no-grad in torch; indices are ints so gradient-free anyway)
    ae1 = out1[anchor1]
    ae2 = out2[anchor2]
    d1 = _pairwise_cos_dist(ae1, out2)
    neg_samples_1 = jnp.argsort(d1, axis=1)[:, :K]
    d2 = _pairwise_cos_dist(ae2, out1)
    neg_samples_2 = jnp.argsort(d2, axis=1)[:, :K]
    neg_samples_1 = jax.lax.stop_gradient(neg_samples_1)
    neg_samples_2 = jax.lax.stop_gradient(neg_samples_2)

    anchor_embeddings_1 = out1[anchor1]
    anchor_embeddings_2 = out2[anchor2]
    neg_embeddings_1 = out2[neg_samples_1, :]
    neg_embeddings_2 = out1[neg_samples_2, :]

    A = _rowwise_cos_dist(anchor_embeddings_1, anchor_embeddings_2)
    D = A + MARGIN

    d = anchor_embeddings_1.shape[-1]
    a1_rep = jnp.repeat(anchor_embeddings_1[:, None, :], K, axis=1).reshape(-1, d)
    B1 = -_rowwise_cos_dist(a1_rep, neg_embeddings_1.reshape(-1, d))
    L1 = jnp.sum(jax.nn.relu(D[:, None] + B1.reshape(-1, K)))

    a2_rep = jnp.repeat(anchor_embeddings_2[:, None, :], K, axis=1).reshape(-1, d)
    B2 = -_rowwise_cos_dist(a2_rep, neg_embeddings_2.reshape(-1, d))
    L2 = jnp.sum(jax.nn.relu(D[:, None] + B2.reshape(-1, K)))

    return (L1 + L2) / (anchor1.shape[0] * K)

if __name__ == "__main__":
    import jax
    _d = setup_inputs()
    print(jax.jit(kernel)(*tuple(_d.values())))

</pallas_src>

<mosaic_0001>
#map = affine_map<(d0, d1) -> (0)>
#map1 = affine_map<(d0, d1) -> (0, 0)>
module attributes {stable_mosaic.version = 14 : i64} {
  func.func @sc_gather(%arg0: i32, %arg1: i32, %arg2: memref<1024xi32, #tpu.memory_space<hbm>>, %arg3: memref<1024xi32, #tpu.memory_space<hbm>>, %arg4: memref<100000x128xf32, #tpu.memory_space<hbm>>, %arg5: memref<100000x128xf32, #tpu.memory_space<hbm>>, %arg6: memref<1024x128xf32, #tpu.memory_space<hbm>>, %arg7: memref<1024x128xf32, #tpu.memory_space<hbm>>, %arg8: memref<32xi32, #tpu.memory_space<vmem>>, %arg9: memref<32xi32, #tpu.memory_space<vmem>>, %arg10: memref<32x128xf32, #tpu.memory_space<vmem>>, %arg11: memref<32x128xf32, #tpu.memory_space<vmem>>, %arg12: memref<!tpu.dma_semaphore, #tpu.memory_space<semaphore_mem>>, %arg13: memref<!tpu.dma_semaphore, #tpu.memory_space<semaphore_mem>>) attributes {dimension_semantics = [#tpu.dimension_semantics<core_parallel>, #tpu.dimension_semantics<subcore_parallel>], iteration_bounds = array<i64: 2, 16>, scalar_prefetch = 0 : i64, scratch_operands = 6 : i64, tpu.core_type = #tpu.core_type<sc_vector_subcore>, window_params = [{transform_indices = #map}, {transform_indices = #map}, {transform_indices = #map1}, {transform_indices = #map1}, {transform_indices = #map1}, {transform_indices = #map1}]} {
    %mul3A = arith.constant 2 : i32
    %mul3A_0 = arith.muli %arg1, %mul3A : i32
    %add3A = arith.addi %mul3A_0, %arg0 : i32
    %mul3A_1 = arith.constant 32 : i32
    %mul3A_2 = arith.muli %add3A, %mul3A_1 : i32
    "tpu.region"() ({
      %run_scoped3A = tpu.sem_alloc : memref<!tpu.dma_semaphore, #tpu.memory_space<semaphore_mem>>
      %dma_start3A_13 = tpu.memref_slice %arg2[%mul3A_2] : memref<1024xi32, #tpu.memory_space<hbm>> -> memref<32xi32, #tpu.memory_space<hbm>>
      %dma_start3A_14 = tpu.memref_slice %arg2[%mul3A_2] : memref<1024xi32, #tpu.memory_space<hbm>> -> memref<32xi32, #tpu.memory_space<hbm>>
      tpu.enqueue_dma source(%dma_start3A_14 : memref<32xi32, #tpu.memory_space<hbm>>) target(%arg8 : memref<32xi32, #tpu.memory_space<vmem>>) target_semaphore(%run_scoped3A : memref<!tpu.dma_semaphore, #tpu.memory_space<semaphore_mem>>)
      %dma_wait3A_15 = tpu.memref_slice %arg2[%mul3A_2] : memref<1024xi32, #tpu.memory_space<hbm>> -> memref<32xi32, #tpu.memory_space<hbm>>
      %dma_wait3A_16 = tpu.memref_slice %arg2[%mul3A_2] : memref<1024xi32, #tpu.memory_space<hbm>> -> memref<32xi32, #tpu.memory_space<hbm>>
      tpu.wait_dma2 semaphore(%run_scoped3A : memref<!tpu.dma_semaphore, #tpu.memory_space<semaphore_mem>>) src(%dma_wait3A_16 : memref<32xi32, #tpu.memory_space<hbm>>) dst(%arg8 : memref<32xi32, #tpu.memory_space<vmem>>)
      tpu.yield
    }) : () -> ()
    "tpu.region"() ({
      %run_scoped3A = tpu.sem_alloc : memref<!tpu.dma_semaphore, #tpu.memory_space<semaphore_mem>>
      %dma_start3A_13 = tpu.memref_slice %arg3[%mul3A_2] : memref<1024xi32, #tpu.memory_space<hbm>> -> memref<32xi32, #tpu.memory_space<hbm>>
      %dma_start3A_14 = tpu.memref_slice %arg3[%mul3A_2] : memref<1024xi32, #tpu.memory_space<hbm>> -> memref<32xi32, #tpu.memory_space<hbm>>
      tpu.enqueue_dma source(%dma_start3A_14 : memref<32xi32, #tpu.memory_space<hbm>>) target(%arg9 : memref<32xi32, #tpu.memory_space<vmem>>) target_semaphore(%run_scoped3A : memref<!tpu.dma_semaphore, #tpu.memory_space<semaphore_mem>>)
      %dma_wait3A_15 = tpu.memref_slice %arg3[%mul3A_2] : memref<1024xi32, #tpu.memory_space<hbm>> -> memref<32xi32, #tpu.memory_space<hbm>>
      %dma_wait3A_16 = tpu.memref_slice %arg3[%mul3A_2] : memref<1024xi32, #tpu.memory_space<hbm>> -> memref<32xi32, #tpu.memory_space<hbm>>
      tpu.wait_dma2 semaphore(%run_scoped3A : memref<!tpu.dma_semaphore, #tpu.memory_space<semaphore_mem>>) src(%dma_wait3A_16 : memref<32xi32, #tpu.memory_space<hbm>>) dst(%arg9 : memref<32xi32, #tpu.memory_space<vmem>>)
      tpu.yield
    }) : () -> ()
    %dma_start3A = arith.constant 0 : i32
    %dma_start3A_3 = arith.constant 0 : i32
    %dma_start3A_4 = tpu.memref_slice %arg4[%dma_start3A, %dma_start3A_3] : memref<100000x128xf32, #tpu.memory_space<hbm>> -> memref<100000x128xf32, #tpu.memory_space<hbm>>
    tpu.enqueue_indirect_dma source(%dma_start3A_4 : memref<100000x128xf32, #tpu.memory_space<hbm>>) target(%arg10 : memref<32x128xf32, #tpu.memory_space<vmem>>) offsets(%arg8 : memref<32xi32, #tpu.memory_space<vmem>>) semaphore(%arg12 : memref<!tpu.dma_semaphore, #tpu.memory_space<semaphore_mem>>)
    %dma_start3A_5 = arith.constant 0 : i32
    %dma_start3A_6 = arith.constant 0 : i32
    %dma_start3A_7 = tpu.memref_slice %arg5[%dma_start3A_5, %dma_start3A_6] : memref<100000x128xf32, #tpu.memory_space<hbm>> -> memref<100000x128xf32, #tpu.memory_space<hbm>>
    tpu.enqueue_indirect_dma source(%dma_start3A_7 : memref<100000x128xf32, #tpu.memory_space<hbm>>) target(%arg11 : memref<32x128xf32, #tpu.memory_space<vmem>>) offsets(%arg9 : memref<32xi32, #tpu.memory_space<vmem>>) semaphore(%arg13 : memref<!tpu.dma_semaphore, #tpu.memory_space<semaphore_mem>>)
    %dma_wait3A = arith.constant 0 : i32
    %dma_wait3A_8 = arith.constant 0 : i32
    %dma_wait3A_9 = tpu.memref_slice %arg4[%dma_wait3A, %dma_wait3A_8] : memref<100000x128xf32, #tpu.memory_space<hbm>> -> memref<100000x128xf32, #tpu.memory_space<hbm>>
    tpu.wait_indirect_dma semaphore(%arg12 : memref<!tpu.dma_semaphore, #tpu.memory_space<semaphore_mem>>) src(%dma_wait3A_9 : memref<100000x128xf32, #tpu.memory_space<hbm>>) dst(%arg10 : memref<32x128xf32, #tpu.memory_space<vmem>>)
    %dma_wait3A_10 = arith.constant 0 : i32
    %dma_wait3A_11 = arith.constant 0 : i32
    %dma_wait3A_12 = tpu.memref_slice %arg5[%dma_wait3A_10, %dma_wait3A_11] : memref<100000x128xf32, #tpu.memory_space<hbm>> -> memref<100000x128xf32, #tpu.memory_space<hbm>>
    tpu.wait_indirect_dma semaphore(%arg13 : memref<!tpu.dma_semaphore, #tpu.memory_space<semaphore_mem>>) src(%dma_wait3A_12 : memref<100000x128xf32, #tpu.memory_space<hbm>>) dst(%arg11 : memref<32x128xf32, #tpu.memory_space<vmem>>)
    "tpu.region"() ({
      %run_scoped3A = tpu.sem_alloc : memref<!tpu.dma_semaphore, #tpu.memory_space<semaphore_mem>>
      %dma_start3A_13 = arith.constant 0 : i32
      %dma_start3A_14 = tpu.memref_slice %arg6[%mul3A_2, %dma_start3A_13] : memref<1024x128xf32, #tpu.memory_space<hbm>> -> memref<32x128xf32, #tpu.memory_space<hbm>>
      %dma_start3A_15 = arith.constant 0 : i32
      %dma_start3A_16 = tpu.memref_slice %arg6[%mul3A_2, %dma_start3A_15] : memref<1024x128xf32, #tpu.memory_space<hbm>> -> memref<32x128xf32, #tpu.memory_space<hbm>>
      tpu.enqueue_dma source(%arg10 : memref<32x128xf32, #tpu.memory_space<vmem>>) target(%dma_start3A_16 : memref<32x128xf32, #tpu.memory_space<hbm>>) target_semaphore(%run_scoped3A : memref<!tpu.dma_semaphore, #tpu.memory_space<semaphore_mem>>)
      %dma_wait3A_17 = arith.constant 0 : i32
      %dma_wait3A_18 = tpu.memref_slice %arg6[%mul3A_2, %dma_wait3A_17] : memref<1024x128xf32, #tpu.memory_space<hbm>> -> memref<32x128xf32, #tpu.memory_space<hbm>>
      %dma_wait3A_19 = arith.constant 0 : i32
      %dma_wait3A_20 = tpu.memref_slice %arg6[%mul3A_2, %dma_wait3A_19] : memref<1024x128xf32, #tpu.memory_space<hbm>> -> memref<32x128xf32, #tpu.memory_space<hbm>>
      tpu.wait_dma2 semaphore(%run_scoped3A : memref<!tpu.dma_semaphore, #tpu.memory_space<semaphore_mem>>) src(%arg10 : memref<32x128xf32, #tpu.memory_space<vmem>>) dst(%dma_wait3A_20 : memref<32x128xf32, #tpu.memory_space<hbm>>)
      tpu.yield
    }) : () -> ()
    "tpu.region"() ({
      %run_scoped3A = tpu.sem_alloc : memref<!tpu.dma_semaphore, #tpu.memory_space<semaphore_mem>>
      %dma_start3A_13 = arith.constant 0 : i32
      %dma_start3A_14 = tpu.memref_slice %arg7[%mul3A_2, %dma_start3A_13] : memref<1024x128xf32, #tpu.memory_space<hbm>> -> memref<32x128xf32, #tpu.memory_space<hbm>>
      %dma_start3A_15 = arith.constant 0 : i32
      %dma_start3A_16 = tpu.memref_slice %arg7[%mul3A_2, %dma_start3A_15] : memref<1024x128xf32, #tpu.memory_space<hbm>> -> memref<32x128xf32, #tpu.memory_space<hbm>>
      tpu.enqueue_dma source(%arg11 : memref<32x128xf32, #tpu.memory_space<vmem>>) target(%dma_start3A_16 : memref<32x128xf32, #tpu.memory_space<hbm>>) target_semaphore(%run_scoped3A : memref<!tpu.dma_semaphore, #tpu.memory_space<semaphore_mem>>)
      %dma_wait3A_17 = arith.constant 0 : i32
      %dma_wait3A_18 = tpu.memref_slice %arg7[%mul3A_2, %dma_wait3A_17] : memref<1024x128xf32, #tpu.memory_space<hbm>> -> memref<32x128xf32, #tpu.memory_space<hbm>>
      %dma_wait3A_19 = arith.constant 0 : i32
      %dma_wait3A_20 = tpu.memref_slice %arg7[%mul3A_2, %dma_wait3A_19] : memref<1024x128xf32, #tpu.memory_space<hbm>> -> memref<32x128xf32, #tpu.memory_space<hbm>>
      tpu.wait_dma2 semaphore(%run_scoped3A : memref<!tpu.dma_semaphore, #tpu.memory_space<semaphore_mem>>) src(%arg11 : memref<32x128xf32, #tpu.memory_space<vmem>>) dst(%dma_wait3A_20 : memref<32x128xf32, #tpu.memory_space<hbm>>)
      tpu.yield
    }) : () -> ()
    return
  }
}

module attributes {stable_mosaic.version = 14 : i64} {
  func.func @_tc_side_body(%arg0: i32, %arg1: memref<1024x128xf32, #tpu.memory_space<vmem>>, %arg2: memref<1024x128xf32, #tpu.memory_space<vmem>>, %arg3: memref<4000x128xf32, #tpu.memory_space<vmem>>, %arg4: memref<1x1xf32, #tpu.memory_space<vmem>>, %arg5: memref<1024x128xbf16, #tpu.memory_space<vmem>>, %arg6: memref<1024x128xf32, #tpu.memory_space<vmem>>, %arg7: memref<1024x128xf32, #tpu.memory_space<vmem>>, %arg8: memref<1024x128xf32, #tpu.memory_space<vmem>>, %arg9: memref<1024x128xf32, #tpu.memory_space<vmem>>) attributes {dimension_semantics = [#tpu.dimension_semantics<arbitrary>], iteration_bounds = array<i64: 25>, scalar_prefetch = 0 : i64, scratch_operands = 5 : i64, tpu.core_type = #tpu.core_type<tc>, window_params = [{pipeline_mode = #tpu.pipeline_mode<synchronous>, transform_indices = @transform_0, window_bounds = array<i64: 1024, 128>}, {pipeline_mode = #tpu.pipeline_mode<synchronous>, transform_indices = @transform_1, window_bounds = array<i64: 1024, 128>}, {transform_indices = @transform_2, window_bounds = array<i64: 4000, 128>}, {pipeline_mode = #tpu.pipeline_mode<synchronous>, transform_indices = @transform_3, window_bounds = array<i64: 1, 1>}]} {
    %eq3A = arith.constant 0 : i32
    %eq3A_0 = arith.cmpi eq, %arg0, %eq3A : i32
    %convert_element_type3A = arith.extui %eq3A_0 : i1 to i32
    %cond3A = arith.constant 0 : i32
    %cond3A_1 = arith.cmpi ne, %convert_element_type3A, %cond3A : i32
    scf.if %cond3A_1 {
      %get3A_169 = arith.constant 0 : index
      %get3A_170 = arith.constant 0 : index
      %get3A_171 = vector.load %arg1[%get3A_169, %get3A_170] : memref<1024x128xf32, #tpu.memory_space<vmem>>, vector<1024x128xf32>
      %mul3A_172 = arith.mulf %get3A_171, %get3A_171 : vector<1024x128xf32>
      %reduce_sum3A_173 = arith.constant dense<0.000000e+00> : vector<1024xf32>
      %reduce_sum3A_174 = vector.multi_reduction <add>, %mul3A_172, %reduce_sum3A_173 [1] : vector<1024x128xf32> to vector<1024xf32>
      %broadcast_in_dim3A_175 = vector.shape_cast %reduce_sum3A_174 : vector<1024xf32> to vector<1024x1xf32>
      %sqrt3A_176 = math.sqrt %broadcast_in_dim3A_175 : vector<1024x1xf32>
      %max3A_177 = arith.constant 9.99999996E-13 : f32
      %max3A_178 = vector.broadcast %max3A_177 : f32 to vector<1024x1xf32>
      %max3A_179 = arith.maximumf %sqrt3A_176, %max3A_178 : vector<1024x1xf32>
      %div3A_180 = vector.broadcast %max3A_179 : vector<1024x1xf32> to vector<1024x128xf32>
      %div3A_181 = arith.divf %get3A_171, %div3A_180 : vector<1024x128xf32>
      %convert_element_type3A_182 = arith.truncf %div3A_181 : vector<1024x128xf32> to vector<1024x128xbf16>
      %swap3A_183 = arith.constant 0 : index
      %swap3A_184 = arith.constant 0 : index
      %swap3A_185 = vector.load %arg5[%swap3A_183, %swap3A_184] : memref<1024x128xbf16, #tpu.memory_space<vmem>>, vector<1024x128xbf16>
      tpu.vector_store %arg5[%swap3A_183, %swap3A_184], %convert_element_type3A_182 {strides = array<i32>} : memref<1024x128xbf16, #tpu.memory_space<vmem>>, vector<1024x128xbf16>,
      %broadcast_in_dim3A_186 = arith.constant -3.000000e+00 : f32
      %broadcast_in_dim3A_187 = vector.broadcast %broadcast_in_dim3A_186 : f32 to vector<1024x128xf32>
      %swap3A_188 = arith.constant 0 : index
      %swap3A_189 = arith.constant 0 : index
      %swap3A_190 = vector.load %arg6[%swap3A_188, %swap3A_189] : memref<1024x128xf32, #tpu.memory_space<vmem>>, vector<1024x128xf32>
      tpu.vector_store %arg6[%swap3A_188, %swap3A_189], %broadcast_in_dim3A_187 {strides = array<i32>} : memref<1024x128xf32, #tpu.memory_space<vmem>>, vector<1024x128xf32>,
      %swap3A_191 = arith.constant 0 : index
      %swap3A_192 = arith.constant 0 : index
      %swap3A_193 = vector.load %arg7[%swap3A_191, %swap3A_192] : memref<1024x128xf32, #tpu.memory_space<vmem>>, vector<1024x128xf32>
      tpu.vector_store %arg7[%swap3A_191, %swap3A_192], %broadcast_in_dim3A_187 {strides = array<i32>} : memref<1024x128xf32, #tpu.memory_space<vmem>>, vector<1024x128xf32>,
      %swap3A_194 = arith.constant 0 : index
      %swap3A_195 = arith.constant 0 : index
      %swap3A_196 = vector.load %arg8[%swap3A_194, %swap3A_195] : memref<1024x128xf32, #tpu.memory_space<vmem>>, vector<1024x128xf32>
      tpu.vector_store %arg8[%swap3A_194, %swap3A_195], %broadcast_in_dim3A_187 {strides = array<i32>} : memref<1024x128xf32, #tpu.memory_space<vmem>>, vector<1024x128xf32>,
      %swap3A_197 = arith.constant 0 : index
      %swap3A_198 = arith.constant 0 : index
      %swap3A_199 = vector.load %arg9[%swap3A_197, %swap3A_198] : memref<1024x128xf32, #tpu.memory_space<vmem>>, vector<1024x128xf32>
      tpu.vector_store %arg9[%swap3A_197, %swap3A_198], %broadcast_in_dim3A_187 {strides = array<i32>} : memref<1024x128xf32, #tpu.memory_space<vmem>>, vector<1024x128xf32>,
    } else {
    }
    %get3A = arith.constant 0 : index
    %get3A_2 = arith.constant 0 : index
    %get3A_3 = vector.load %arg3[%get3A, %get3A_2] : memref<4000x128xf32, #tpu.memory_space<vmem>>, vector<4000x128xf32>
    %mul3A = arith.mulf %get3A_3, %get3A_3 : vector<4000x128xf32>
    %reduce_sum3A = arith.constant dense<0.000000e+00> : vector<4000xf32>
    %reduce_sum3A_4 = vector.multi_reduction <add>, %mul3A, %reduce_sum3A [1] : vector<4000x128xf32> to vector<4000xf32>
    %broadcast_in_dim3A = vector.shape_cast %reduce_sum3A_4 : vector<4000xf32> to vector<4000x1xf32>
    %sqrt3A = math.sqrt %broadcast_in_dim3A : vector<4000x1xf32>
    %max3A = arith.constant 9.99999996E-13 : f32
    %max3A_5 = vector.broadcast %max3A : f32 to vector<4000x1xf32>
    %max3A_6 = arith.maximumf %sqrt3A, %max3A_5 : vector<4000x1xf32>
    %div3A = vector.broadcast %max3A_6 : vector<4000x1xf32> to vector<4000x128xf32>
    %div3A_7 = arith.divf %get3A_3, %div3A : vector<4000x128xf32>
    %convert_element_type3A_8 = arith.truncf %div3A_7 : vector<4000x128xf32> to vector<4000x128xbf16>
    %get3A_9 = arith.constant 0 : index
    %get3A_10 = arith.constant 0 : index
    %get3A_11 = vector.load %arg5[%get3A_9, %get3A_10] : memref<1024x128xbf16, #tpu.memory_space<vmem>>, vector<1024x128xbf16>
    %dot_general3A = arith.constant dense<0.000000e+00> : vector<1024x4000xf32>
    %dot_general3A_12 = tpu.matmul %get3A_11, %convert_element_type3A_8, %dot_general3A {dimension_numbers = #tpu.dot_dimension_numbers<[1], [1], [0], [0], [0, 0, 1, 0], [], []>, transpose_lhs_hint = false} : vector<1024x128xbf16>, vector<4000x128xbf16>, vector<1024x4000xf32> -> vector<1024x4000xf32>
    %broadcast_in_dim3A_13 = arith.constant -3.000000e+00 : f32
    %broadcast_in_dim3A_14 = vector.broadcast %broadcast_in_dim3A_13 : f32 to vector<1024x96xf32>
    %get3A_15 = arith.constant 0 : index
    %get3A_16 = arith.constant 0 : index
    %get3A_17 = vector.load %arg6[%get3A_15, %get3A_16] : memref<1024x128xf32, #tpu.memory_space<vmem>>, vector<1024x128xf32>
    %get3A_18 = arith.constant 0 : index
    %get3A_19 = arith.constant 0 : index
    %get3A_20 = vector.load %arg8[%get3A_18, %get3A_19] : memref<1024x128xf32, #tpu.memory_space<vmem>>, vector<1024x128xf32>
    %get3A_21 = arith.constant 0 : index
    %get3A_22 = arith.constant 0 : index
    %get3A_23 = vector.load %arg7[%get3A_21, %get3A_22] : memref<1024x128xf32, #tpu.memory_space<vmem>>, vector<1024x128xf32>
    %get3A_24 = arith.constant 0 : index
    %get3A_25 = arith.constant 0 : index
    %get3A_26 = vector.load %arg9[%get3A_24, %get3A_25] : memref<1024x128xf32, #tpu.memory_space<vmem>>, vector<1024x128xf32>
    %slice3A = vector.extract_strided_slice %dot_general3A_12 {offsets = [0, 0], sizes = [1024, 128], strides = [1, 1]} : vector<1024x4000xf32> to vector<1024x128xf32>
    %min3A = arith.minimumf %get3A_17, %slice3A : vector<1024x128xf32>
    %max3A_27 = arith.maximumf %get3A_17, %slice3A : vector<1024x128xf32>
    %max3A_28 = arith.maximumf %get3A_23, %min3A : vector<1024x128xf32>
    %slice3A_29 = vector.extract_strided_slice %dot_general3A_12 {offsets = [0, 128], sizes = [1024, 128], strides = [1, 1]} : vector<1024x4000xf32> to vector<1024x128xf32>
    %min3A_30 = arith.minimumf %get3A_20, %slice3A_29 : vector<1024x128xf32>
    %max3A_31 = arith.maximumf %get3A_20, %slice3A_29 : vector<1024x128xf32>
    %max3A_32 = arith.maximumf %get3A_26, %min3A_30 : vector<1024x128xf32>
    %slice3A_33 = vector.extract_strided_slice %dot_general3A_12 {offsets = [0, 256], sizes = [1024, 128], strides = [1, 1]} : vector<1024x4000xf32> to vector<1024x128xf32>
    %min3A_34 = arith.minimumf %max3A_27, %slice3A_33 : vector<1024x128xf32>
    %max3A_35 = arith.maximumf %max3A_27, %slice3A_33 : vector<1024x128xf32>
    %max3A_36 = arith.maximumf %max3A_28, %min3A_34 : vector<1024x128xf32>
    %slice3A_37 = vector.extract_strided_slice %dot_general3A_12 {offsets = [0, 384], sizes = [1024, 128], strides = [1, 1]} : vector<1024x4000xf32> to vector<1024x128xf32>
    %min3A_38 = arith.minimumf %max3A_31, %slice3A_37 : vector<1024x128xf32>
    %max3A_39 = arith.maximumf %max3A_31, %slice3A_37 : vector<1024x128xf32>
    %max3A_40 = arith.maximumf %max3A_32, %min3A_38 : vector<1024x128xf32>
    %slice3A_41 = vector.extract_strided_slice %dot_general3A_12 {offsets = [0, 512], sizes = [1024, 128], strides = [1, 1]} : vector<1024x4000xf32> to vector<1024x128xf32>
    %min3A_42 = arith.minimumf %max3A_35, %slice3A_41 : vector<1024x128xf32>
    %max3A_43 = arith.maximumf %max3A_35, %slice3A_41 : vector<1024x128xf32>
    %max3A_44 = arith.maximumf %max3A_36, %min3A_42 : vector<1024x128xf32>
    %slice3A_45 = vector.extract_strided_slice %dot_general3A_12 {offsets = [0, 640], sizes = [1024, 128], strides = [1, 1]} : vector<1024x4000xf32> to vector<1024x128xf32>
    %min3A_46 = arith.minimumf %max3A_39, %slice3A_45 : vector<1024x128xf32>
    %max3A_47 = arith.maximumf %max3A_39, %slice3A_45 : vector<1024x128xf32>
    %max3A_48 = arith.maximumf %max3A_40, %min3A_46 : vector<1024x128xf32>
    %slice3A_49 = vector.extract_strided_slice %dot_general3A_12 {offsets = [0, 768], sizes = [1024, 128], strides = [1, 1]} : vector<1024x4000xf32> to vector<1024x128xf32>
    %min3A_50 = arith.minimumf %max3A_43, %slice3A_49 : vector<1024x128xf32>
    %max3A_51 = arith.maximumf %max3A_43, %slice3A_49 : vector<1024x128xf32>
    %max3A_52 = arith.maximumf %max3A_44, %min3A_50 : vector<1024x128xf32>
    %slice3A_53 = vector.extract_strided_slice %dot_general3A_12 {offsets = [0, 896], sizes = [1024, 128], strides = [1, 1]} : vector<1024x4000xf32> to vector<1024x128xf32>
    %min3A_54 = arith.minimumf %max3A_47, %slice3A_53 : vector<1024x128xf32>
    %max3A_55 = arith.maximumf %max3A_47, %slice3A_53 : vector<1024x128xf32>
    %max3A_56 = arith.maximumf %max3A_48, %min3A_54 : vector<1024x128xf32>
    %slice3A_57 = vector.extract_strided_slice %dot_general3A_12 {offsets = [0, 1024], sizes = [1024, 128], strides = [1, 1]} : vector<1024x4000xf32> to vector<1024x128xf32>
    %min3A_58 = arith.minimumf %max3A_51, %slice3A_57 : vector<1024x128xf32>
    %max3A_59 = arith.maximumf %max3A_51, %slice3A_57 : vector<1024x128xf32>
    %max3A_60 = arith.maximumf %max3A_52, %min3A_58 : vector<1024x128xf32>
    %slice3A_61 = vector.extract_strided_slice %dot_general3A_12 {offsets = [0, 1152], sizes = [1024, 128], strides = [1, 1]} : vector<1024x4000xf32> to vector<1024x128xf32>
    %min3A_62 = arith.minimumf %max3A_55, %slice3A_61 : vector<1024x128xf32>
    %max3A_63 = arith.maximumf %max3A_55, %slice3A_61 : vector<1024x128xf32>
    %max3A_64 = arith.maximumf %max3A_56, %min3A_62 : vector<1024x128xf32>
    %slice3A_65 = vector.extract_strided_slice %dot_general3A_12 {offsets = [0, 1280], sizes = [1024, 128], strides = [1, 1]} : vector<1024x4000xf32> to vector<1024x128xf32>
    %min3A_66 = arith.minimumf %max3A_59, %slice3A_65 : vector<1024x128xf32>
    %max3A_67 = arith.maximumf %max3A_59, %slice3A_65 : vector<1024x128xf32>
    %max3A_68 = arith.maximumf %max3A_60, %min3A_66 : vector<1024x128xf32>
    %slice3A_69 = vector.extract_strided_slice %dot_general3A_12 {offsets = [0, 1408], sizes = [1024, 128], strides = [1, 1]} : vector<1024x4000xf32> to vector<1024x128xf32>
    %min3A_70 = arith.minimumf %max3A_63, %slice3A_69 : vector<1024x128xf32>
    %max3A_71 = arith.maximumf %max3A_63, %slice3A_69 : vector<1024x128xf32>
    %max3A_72 = arith.maximumf %max3A_64, %min3A_70 : vector<1024x128xf32>
    %slice3A_73 = vector.extract_strided_slice %dot_general3A_12 {offsets = [0, 1536], sizes = [1024, 128], strides = [1, 1]} : vector<1024x4000xf32> to vector<1024x128xf32>
    %min3A_74 = arith.minimumf %max3A_67, %slice3A_73 : vector<1024x128xf32>
    %max3A_75 = arith.maximumf %max3A_67, %slice3A_73 : vector<1024x128xf32>
    %max3A_76 = arith.maximumf %max3A_68, %min3A_74 : vector<1024x128xf32>
    %slice3A_77 = vector.extract_strided_slice %dot_general3A_12 {offsets = [0, 1664], sizes = [1024, 128], strides = [1, 1]} : vector<1024x4000xf32> to vector<1024x128xf32>
    %min3A_78 = arith.minimumf %max3A_71, %slice3A_77 : vector<1024x128xf32>
    %max3A_79 = arith.maximumf %max3A_71, %slice3A_77 : vector<1024x128xf32>
    %max3A_80 = arith.maximumf %max3A_72, %min3A_78 : vector<1024x128xf32>
    %slice3A_81 = vector.extract_strided_slice %dot_general3A_12 {offsets = [0, 1792], sizes = [1024, 128], strides = [1, 1]} : vector<1024x4000xf32> to vector<1024x128xf32>
    %min3A_82 = arith.minimumf %max3A_75, %slice3A_81 : vector<1024x128xf32>
    %max3A_83 = arith.maximumf %max3A_75, %slice3A_81 : vector<1024x128xf32>
    %max3A_84 = arith.maximumf %max3A_76, %min3A_82 : vector<1024x128xf32>
    %slice3A_85 = vector.extract_strided_slice %dot_general3A_12 {offsets = [0, 1920], sizes = [1024, 128], strides = [1, 1]} : vector<1024x4000xf32> to vector<1024x128xf32>
    %min3A_86 = arith.minimumf %max3A_79, %slice3A_85 : vector<1024x128xf32>
    %max3A_87 = arith.maximumf %max3A_79, %slice3A_85 : vector<1024x128xf32>
    %max3A_88 = arith.maximumf %max3A_80, %min3A_86 : vector<1024x128xf32>
    %slice3A_89 = vector.extract_strided_slice %dot_general3A_12 {offsets = [0, 2048], sizes = [1024, 128], strides = [1, 1]} : vector<1024x4000xf32> to vector<1024x128xf32>
    %min3A_90 = arith.minimumf %max3A_83, %slice3A_89 : vector<1024x128xf32>
    %max3A_91 = arith.maximumf %max3A_83, %slice3A_89 : vector<1024x128xf32>
    %max3A_92 = arith.maximumf %max3A_84, %min3A_90 : vector<1024x128xf32>
    %slice3A_93 = vector.extract_strided_slice %dot_general3A_12 {offsets = [0, 2176], sizes = [1024, 128], strides = [1, 1]} : vector<1024x4000xf32> to vector<1024x128xf32>
    %min3A_94 = arith.minimumf %max3A_87, %slice3A_93 : vector<1024x128xf32>
    %max3A_95 = arith.maximumf %max3A_87, %slice3A_93 : vector<1024x128xf32>
    %max3A_96 = arith.maximumf %max3A_88, %min3A_94 : vector<1024x128xf32>
    %slice3A_97 = vector.extract_strided_slice %dot_general3A_12 {offsets = [0, 2304], sizes = [1024, 128], strides = [1, 1]} : vector<1024x4000xf32> to vector<1024x128xf32>
    %min3A_98 = arith.minimumf %max3A_91, %slice3A_97 : vector<1024x128xf32>
    %max3A_99 = arith.maximumf %max3A_91, %slice3A_97 : vector<1024x128xf32>
    %max3A_100 = arith.maximumf %max3A_92, %min3A_98 : vector<1024x128xf32>
    %slice3A_101 = vector.extract_strided_slice %dot_general3A_12 {offsets = [0, 2432], sizes = [1024, 128], strides = [1, 1]} : vector<1024x4000xf32> to vector<1024x128xf32>
    %min3A_102 = arith.minimumf %max3A_95, %slice3A_101 : vector<1024x128xf32>
    %max3A_103 = arith.maximumf %max3A_95, %slice3A_101 : vector<1024x128xf32>
    %max3A_104 = arith.maximumf %max3A_96, %min3A_102 : vector<1024x128xf32>
    %slice3A_105 = vector.extract_strided_slice %dot_general3A_12 {offsets = [0, 2560], sizes = [1024, 128], strides = [1, 1]} : vector<1024x4000xf32> to vector<1024x128xf32>
    %min3A_106 = arith.minimumf %max3A_99, %slice3A_105 : vector<1024x128xf32>
    %max3A_107 = arith.maximumf %max3A_99, %slice3A_105 : vector<1024x128xf32>
    %max3A_108 = arith.maximumf %max3A_100, %min3A_106 : vector<1024x128xf32>
    %slice3A_109 = vector.extract_strided_slice %dot_general3A_12 {offsets = [0, 2688], sizes = [1024, 128], strides = [1, 1]} : vector<1024x4000xf32> to vector<1024x128xf32>
    %min3A_110 = arith.minimumf %max3A_103, %slice3A_109 : vector<1024x128xf32>
    %max3A_111 = arith.maximumf %max3A_103, %slice3A_109 : vector<1024x128xf32>
    %max3A_112 = arith.maximumf %max3A_104, %min3A_110 : vector<1024x128xf32>
    %slice3A_113 = vector.extract_strided_slice %dot_general3A_12 {offsets = [0, 2816], sizes = [1024, 128], strides = [1, 1]} : vector<1024x4000xf32> to vector<1024x128xf32>
    %min3A_114 = arith.minimumf %max3A_107, %slice3A_113 : vector<1024x128xf32>
    %max3A_115 = arith.maximumf %max3A_107, %slice3A_113 : vector<1024x128xf32>
    %max3A_116 = arith.maximumf %max3A_108, %min3A_114 : vector<1024x128xf32>
    %slice3A_117 = vector.extract_strided_slice %dot_general3A_12 {offsets = [0, 2944], sizes = [1024, 128], strides = [1, 1]} : vector<1024x4000xf32> to vector<1024x128xf32>
    %min3A_118 = arith.minimumf %max3A_111, %slice3A_117 : vector<1024x128xf32>
    %max3A_119 = arith.maximumf %max3A_111, %slice3A_117 : vector<1024x128xf32>
    %max3A_120 = arith.maximumf %max3A_112, %min3A_118 : vector<1024x128xf32>
    %slice3A_121 = vector.extract_strided_slice %dot_general3A_12 {offsets = [0, 3072], sizes = [1024, 128], strides = [1, 1]} : vector<1024x4000xf32> to vector<1024x128xf32>
    %min3A_122 = arith.minimumf %max3A_115, %slice3A_121 : vector<1024x128xf32>
    %max3A_123 = arith.maximumf %max3A_115, %slice3A_121 : vector<1024x128xf32>
    %max3A_124 = arith.maximumf %max3A_116, %min3A_122 : vector<1024x128xf32>
    %slice3A_125 = vector.extract_strided_slice %dot_general3A_12 {offsets = [0, 3200], sizes = [1024, 128], strides = [1, 1]} : vector<1024x4000xf32> to vector<1024x128xf32>
    %min3A_126 = arith.minimumf %max3A_119, %slice3A_125 : vector<1024x128xf32>
    %max3A_127 = arith.maximumf %max3A_119, %slice3A_125 : vector<1024x128xf32>
    %max3A_128 = arith.maximumf %max3A_120, %min3A_126 : vector<1024x128xf32>
    %slice3A_129 = vector.extract_strided_slice %dot_general3A_12 {offsets = [0, 3328], sizes = [1024, 128], strides = [1, 1]} : vector<1024x4000xf32> to vector<1024x128xf32>
    %min3A_130 = arith.minimumf %max3A_123, %slice3A_129 : vector<1024x128xf32>
    %max3A_131 = arith.maximumf %max3A_123, %slice3A_129 : vector<1024x128xf32>
    %max3A_132 = arith.maximumf %max3A_124, %min3A_130 : vector<1024x128xf32>
    %slice3A_133 = vector.extract_strided_slice %dot_general3A_12 {offsets = [0, 3456], sizes = [1024, 128], strides = [1, 1]} : vector<1024x4000xf32> to vector<1024x128xf32>
    %min3A_134 = arith.minimumf %max3A_127, %slice3A_133 : vector<1024x128xf32>
    %max3A_135 = arith.maximumf %max3A_127, %slice3A_133 : vector<1024x128xf32>
    %max3A_136 = arith.maximumf %max3A_128, %min3A_134 : vector<1024x128xf32>
    %slice3A_137 = vector.extract_strided_slice %dot_general3A_12 {offsets = [0, 3584], sizes = [1024, 128], strides = [1, 1]} : vector<1024x4000xf32> to vector<1024x128xf32>
    %min3A_138 = arith.minimumf %max3A_131, %slice3A_137 : vector<1024x128xf32>
    %max3A_139 = arith.maximumf %max3A_131, %slice3A_137 : vector<1024x128xf32>
    %max3A_140 = arith.maximumf %max3A_132, %min3A_138 : vector<1024x128xf32>
    %slice3A_141 = vector.extract_strided_slice %dot_general3A_12 {offsets = [0, 3712], sizes = [1024, 128], strides = [1, 1]} : vector<1024x4000xf32> to vector<1024x128xf32>
    %min3A_142 = arith.minimumf %max3A_135, %slice3A_141 : vector<1024x128xf32>
    %max3A_143 = arith.maximumf %max3A_135, %slice3A_141 : vector<1024x128xf32>
    %max3A_144 = arith.maximumf %max3A_136, %min3A_142 : vector<1024x128xf32>
    %slice3A_145 = vector.extract_strided_slice %dot_general3A_12 {offsets = [0, 3840], sizes = [1024, 128], strides = [1, 1]} : vector<1024x4000xf32> to vector<1024x128xf32>
    %min3A_146 = arith.minimumf %max3A_139, %slice3A_145 : vector<1024x128xf32>
    %max3A_147 = arith.maximumf %max3A_139, %slice3A_145 : vector<1024x128xf32>
    %max3A_148 = arith.maximumf %max3A_140, %min3A_146 : vector<1024x128xf32>
    %slice3A_149 = vector.extract_strided_slice %dot_general3A_12 {offsets = [0, 3968], sizes = [1024, 32], strides = [1, 1]} : vector<1024x4000xf32> to vector<1024x32xf32>
    %concatenate3A = tpu.concatenate %slice3A_149, %broadcast_in_dim3A_14 in 1 : vector<1024x32xf32>, vector<1024x96xf32> -> vector<1024x128xf32>
    %min3A_150 = arith.minimumf %max3A_143, %concatenate3A : vector<1024x128xf32>
    %max3A_151 = arith.maximumf %max3A_143, %concatenate3A : vector<1024x128xf32>
    %max3A_152 = arith.maximumf %max3A_144, %min3A_150 : vector<1024x128xf32>
    %swap3A = arith.constant 0 : index
    %swap3A_153 = arith.constant 0 : index
    %swap3A_154 = vector.load %arg6[%swap3A, %swap3A_153] : memref<1024x128xf32, #tpu.memory_space<vmem>>, vector<1024x128xf32>
    tpu.vector_store %arg6[%swap3A, %swap3A_153], %max3A_147 {strides = array<i32>} : memref<1024x128xf32, #tpu.memory_space<vmem>>, vector<1024x128xf32>,
    %swap3A_155 = arith.constant 0 : index
    %swap3A_156 = arith.constant 0 : index
    %swap3A_157 = vector.load %arg8[%swap3A_155, %swap3A_156] : memref<1024x128xf32, #tpu.memory_space<vmem>>, vector<1024x128xf32>
    tpu.vector_store %arg8[%swap3A_155, %swap3A_156], %max3A_151 {strides = array<i32>} : memref<1024x128xf32, #tpu.memory_space<vmem>>, vector<1024x128xf32>,
    %swap3A_158 = arith.constant 0 : index
    %swap3A_159 = arith.constant 0 : index
    %swap3A_160 = vector.load %arg7[%swap3A_158, %swap3A_159] : memref<1024x128xf32, #tpu.memory_space<vmem>>, vector<1024x128xf32>
    tpu.vector_store %arg7[%swap3A_158, %swap3A_159], %max3A_148 {strides = array<i32>} : memref<1024x128xf32, #tpu.memory_space<vmem>>, vector<1024x128xf32>,
    %swap3A_161 = arith.constant 0 : index
    %swap3A_162 = arith.constant 0 : index
    %swap3A_163 = vector.load %arg9[%swap3A_161, %swap3A_162] : memref<1024x128xf32, #tpu.memory_space<vmem>>, vector<1024x128xf32>
    tpu.vector_store %arg9[%swap3A_161, %swap3A_162], %max3A_152 {strides = array<i32>} : memref<1024x128xf32, #tpu.memory_space<vmem>>, vector<1024x128xf32>,
    %eq3A_164 = arith.constant 24 : i32
    %eq3A_165 = arith.cmpi eq, %arg0, %eq3A_164 : i32
    %convert_element_type3A_166 = arith.extui %eq3A_165 : i1 to i32
    %cond3A_167 = arith.constant 0 : i32
    %cond3A_168 = arith.cmpi ne, %convert_element_type3A_166, %cond3A_167 : i32
    scf.if %cond3A_168 {
      %get3A_169 = arith.constant 0 : index
      %get3A_170 = arith.constant 0 : index
      %get3A_171 = vector.load %arg1[%get3A_169, %get3A_170] : memref<1024x128xf32, #tpu.memory_space<vmem>>, vector<1024x128xf32>
      %get3A_172 = arith.constant 0 : index
      %get3A_173 = arith.constant 0 : index
      %get3A_174 = vector.load %arg2[%get3A_172, %get3A_173] : memref<1024x128xf32, #tpu.memory_space<vmem>>, vector<1024x128xf32>
      %mul3A_175 = arith.mulf %get3A_171, %get3A_174 : vector<1024x128xf32>
      %reduce_sum3A_176 = arith.constant dense<0.000000e+00> : vector<1024xf32>
      %reduce_sum3A_177 = vector.multi_reduction <add>, %mul3A_175, %reduce_sum3A_176 [1] : vector<1024x128xf32> to vector<1024xf32>
      %broadcast_in_dim3A_178 = vector.shape_cast %reduce_sum3A_177 : vector<1024xf32> to vector<1024x1xf32>
      %mul3A_179 = arith.mulf %get3A_171, %get3A_171 : vector<1024x128xf32>
      %reduce_sum3A_180 = arith.constant dense<0.000000e+00> : vector<1024xf32>
      %reduce_sum3A_181 = vector.multi_reduction <add>, %mul3A_179, %reduce_sum3A_180 [1] : vector<1024x128xf32> to vector<1024xf32>
      %broadcast_in_dim3A_182 = vector.shape_cast %reduce_sum3A_181 : vector<1024xf32> to vector<1024x1xf32>
      %sqrt3A_183 = math.sqrt %broadcast_in_dim3A_182 : vector<1024x1xf32>
      %mul3A_184 = arith.mulf %get3A_174, %get3A_174 : vector<1024x128xf32>
      %reduce_sum3A_185 = arith.constant dense<0.000000e+00> : vector<1024xf32>
      %reduce_sum3A_186 = vector.multi_reduction <add>, %mul3A_184, %reduce_sum3A_185 [1] : vector<1024x128xf32> to vector<1024xf32>
      %broadcast_in_dim3A_187 = vector.shape_cast %reduce_sum3A_186 : vector<1024xf32> to vector<1024x1xf32>
      %sqrt3A_188 = math.sqrt %broadcast_in_dim3A_187 : vector<1024x1xf32>
      %mul3A_189 = arith.mulf %sqrt3A_183, %sqrt3A_188 : vector<1024x1xf32>
      %div3A_190 = arith.divf %broadcast_in_dim3A_178, %mul3A_189 : vector<1024x1xf32>
      %sub3A = arith.constant 1.500000e+00 : f32
      %sub3A_191 = vector.broadcast %sub3A : f32 to vector<1024x1xf32>
      %sub3A_192 = arith.subf %sub3A_191, %div3A_190 : vector<1024x1xf32>
      %sub3A_193 = arith.constant 1.000000e+00 : f32
      %sub3A_194 = vector.broadcast %sub3A_193 : f32 to vector<1024x1xf32>
      %sub3A_195 = arith.subf %sub3A_192, %sub3A_194 : vector<1024x1xf32>
      %get3A_196 = arith.constant 0 : index
      %get3A_197 = arith.constant 0 : index
      %get3A_198 = vector.load %arg6[%get3A_196, %get3A_197] : memref<1024x128xf32, #tpu.memory_space<vmem>>, vector<1024x128xf32>
      %get3A_199 = arith.constant 0 : index
      %get3A_200 = arith.constant 0 : index
      %get3A_201 = vector.load %arg8[%get3A_199, %get3A_200] : memref<1024x128xf32, #tpu.memory_space<vmem>>, vector<1024x128xf32>
      %get3A_202 = arith.constant 0 : index
      %get3A_203 = arith.constant 0 : index
      %get3A_204 = vector.load %arg7[%get3A_202, %get3A_203] : memref<1024x128xf32, #tpu.memory_space<vmem>>, vector<1024x128xf32>
      %get3A_205 = arith.constant 0 : index
      %get3A_206 = arith.constant 0 : index
      %get3A_207 = vector.load %arg9[%get3A_205, %get3A_206] : memref<1024x128xf32, #tpu.memory_space<vmem>>, vector<1024x128xf32>
      %broadcast_in_dim3A_208 = arith.constant 0.000000e+00 : f32
      %broadcast_in_dim3A_209 = vector.broadcast %broadcast_in_dim3A_208 : f32 to vector<1024x1xf32>
      %reduce_max3A = arith.constant dense<0xFF800000> : vector<1024xf32>
      %reduce_max3A_210 = vector.multi_reduction <maximumf>, %get3A_198, %reduce_max3A [1] : vector<1024x128xf32> to vector<1024xf32>
      %broadcast_in_dim3A_211 = vector.shape_cast %reduce_max3A_210 : vector<1024xf32> to vector<1024x1xf32>
      %reduce_max3A_212 = arith.constant dense<0xFF800000> : vector<1024xf32>
      %reduce_max3A_213 = vector.multi_reduction <maximumf>, %get3A_201, %reduce_max3A_212 [1] : vector<1024x128xf32> to vector<1024xf32>
      %broadcast_in_dim3A_214 = vector.shape_cast %reduce_max3A_213 : vector<1024xf32> to vector<1024x1xf32>
      %max3A_215 = arith.maximumf %broadcast_in_dim3A_211, %broadcast_in_dim3A_214 : vector<1024x1xf32>
      %reduce_max3A_216 = arith.constant dense<0xFF800000> : vector<1024xf32>
      %reduce_max3A_217 = vector.multi_reduction <maximumf>, %get3A_204, %reduce_max3A_216 [1] : vector<1024x128xf32> to vector<1024xf32>
      %broadcast_in_dim3A_218 = vector.shape_cast %reduce_max3A_217 : vector<1024xf32> to vector<1024x1xf32>
      %max3A_219 = arith.maximumf %max3A_215, %broadcast_in_dim3A_218 : vector<1024x1xf32>
      %reduce_max3A_220 = arith.constant dense<0xFF800000> : vector<1024xf32>
      %reduce_max3A_221 = vector.multi_reduction <maximumf>, %get3A_207, %reduce_max3A_220 [1] : vector<1024x128xf32> to vector<1024xf32>
      %broadcast_in_dim3A_222 = vector.shape_cast %reduce_max3A_221 : vector<1024xf32> to vector<1024x1xf32>
      %max3A_223 = arith.maximumf %max3A_219, %broadcast_in_dim3A_222 : vector<1024x1xf32>
      %add3A = arith.addf %sub3A_195, %max3A_223 : vector<1024x1xf32>
      %max3A_224 = arith.constant 0.000000e+00 : f32
      %max3A_225 = vector.broadcast %max3A_224 : f32 to vector<1024x1xf32>
      %max3A_226 = arith.maximumf %add3A, %max3A_225 : vector<1024x1xf32>
      %add3A_227 = arith.addf %broadcast_in_dim3A_209, %max3A_226 : vector<1024x1xf32>
      %eq3A_228 = vector.broadcast %max3A_223 : vector<1024x1xf32> to vector<1024x128xf32>
      %eq3A_229 = arith.cmpf oeq, %get3A_198, %eq3A_228 : vector<1024x128xf32>
      %jit3A = arith.constant -3.000000e+00 : f32
      %broadcast_in_dim3A_230 = vector.broadcast %jit3A : f32 to vector<1024x128xf32>
      %select_n3A = arith.select %eq3A_229, %broadcast_in_dim3A_230, %get3A_198 : vector<1024x128xi1>, vector<1024x128xf32>
      %eq3A_231 = vector.broadcast %max3A_223 : vector<1024x1xf32> to vector<1024x128xf32>
      %eq3A_232 = arith.cmpf oeq, %get3A_201, %eq3A_231 : vector<1024x128xf32>
      %jit3A_233 = arith.constant -3.000000e+00 : f32
      %broadcast_in_dim3A_234 = vector.broadcast %jit3A_233 : f32 to vector<1024x128xf32>
      %select_n3A_235 = arith.select %eq3A_232, %broadcast_in_dim3A_234, %get3A_201 : vector<1024x128xi1>, vector<1024x128xf32>
      %eq3A_236 = vector.broadcast %max3A_223 : vector<1024x1xf32> to vector<1024x128xf32>
      %eq3A_237 = arith.cmpf oeq, %get3A_204, %eq3A_236 : vector<1024x128xf32>
      %jit3A_238 = arith.constant -3.000000e+00 : f32
      %broadcast_in_dim3A_239 = vector.broadcast %jit3A_238 : f32 to vector<1024x128xf32>
      %select_n3A_240 = arith.select %eq3A_237, %broadcast_in_dim3A_239, %get3A_204 : vector<1024x128xi1>, vector<1024x128xf32>
      %eq3A_241 = vector.broadcast %max3A_223 : vector<1024x1xf32> to vector<1024x128xf32>
      %eq3A_242 = arith.cmpf oeq, %get3A_207, %eq3A_241 : vector<1024x128xf32>
      %jit3A_243 = arith.constant -3.000000e+00 : f32
      %broadcast_in_dim3A_244 = vector.broadcast %jit3A_243 : f32 to vector<1024x128xf32>
      %select_n3A_245 = arith.select %eq3A_242, %broadcast_in_dim3A_244, %get3A_207 : vector<1024x128xi1>, vector<1024x128xf32>
      %reduce_max3A_246 = arith.constant dense<0xFF800000> : vector<1024xf32>
      %reduce_max3A_247 = vector.multi_reduction <maximumf>, %select_n3A, %reduce_max3A_246 [1] : vector<1024x128xf32> to vector<1024xf32>
      %broadcast_in_dim3A_248 = vector.shape_cast %reduce_max3A_247 : vector<1024xf32> to vector<1024x1xf32>
      %reduce_max3A_249 = arith.constant dense<0xFF800000> : vector<1024xf32>
      %reduce_max3A_250 = vector.multi_reduction <maximumf>, %select_n3A_235, %reduce_max3A_249 [1] : vector<1024x128xf32> to vector<1024xf32>
      %broadcast_in_dim3A_251 = vector.shape_cast %reduce_max3A_250 : vector<1024xf32> to vector<1024x1xf32>
      %max3A_252 = arith.maximumf %broadcast_in_dim3A_248, %broadcast_in_dim3A_251 : vector<1024x1xf32>
      %reduce_max3A_253 = arith.constant dense<0xFF800000> : vector<1024xf32>
      %reduce_max3A_254 = vector.multi_reduction <maximumf>, %select_n3A_240, %reduce_max3A_253 [1] : vector<1024x128xf32> to vector<1024xf32>
      %broadcast_in_dim3A_255 = vector.shape_cast %reduce_max3A_254 : vector<1024xf32> to vector<1024x1xf32>
      %max3A_256 = arith.maximumf %max3A_252, %broadcast_in_dim3A_255 : vector<1024x1xf32>
      %reduce_max3A_257 = arith.constant dense<0xFF800000> : vector<1024xf32>
      %reduce_max3A_258 = vector.multi_reduction <maximumf>, %select_n3A_245, %reduce_max3A_257 [1] : vector<1024x128xf32> to vector<1024xf32>
      %broadcast_in_dim3A_259 = vector.shape_cast %reduce_max3A_258 : vector<1024xf32> to vector<1024x1xf32>
      %max3A_260 = arith.maximumf %max3A_256, %broadcast_in_dim3A_259 : vector<1024x1xf32>
      %add3A_261 = arith.addf %sub3A_195, %max3A_260 : vector<1024x1xf32>
      %max3A_262 = arith.constant 0.000000e+00 : f32
      %max3A_263 = vector.broadcast %max3A_262 : f32 to vector<1024x1xf32>
      %max3A_264 = arith.maximumf %add3A_261, %max3A_263 : vector<1024x1xf32>
      %add3A_265 = arith.addf %add3A_227, %max3A_264 : vector<1024x1xf32>
      %eq3A_266 = vector.broadcast %max3A_260 : vector<1024x1xf32> to vector<1024x128xf32>
      %eq3A_267 = arith.cmpf oeq, %select_n3A, %eq3A_266 : vector<1024x128xf32>
      %jit3A_268 = arith.constant -3.000000e+00 : f32
      %broadcast_in_dim3A_269 = vector.broadcast %jit3A_268 : f32 to vector<1024x128xf32>
      %select_n3A_270 = arith.select %eq3A_267, %broadcast_in_dim3A_269, %select_n3A : vector<1024x128xi1>, vector<1024x128xf32>
      %eq3A_271 = vector.broadcast %max3A_260 : vector<1024x1xf32> to vector<1024x128xf32>
      %eq3A_272 = arith.cmpf oeq, %select_n3A_235, %eq3A_271 : vector<1024x128xf32>
      %jit3A_273 = arith.constant -3.000000e+00 : f32
      %broadcast_in_dim3A_274 = vector.broadcast %jit3A_273 : f32 to vector<1024x128xf32>
      %select_n3A_275 = arith.select %eq3A_272, %broadcast_in_dim3A_274, %select_n3A_235 : vector<1024x128xi1>, vector<1024x128xf32>
      %eq3A_276 = vector.broadcast %max3A_260 : vector<1024x1xf32> to vector<1024x128xf32>
      %eq3A_277 = arith.cmpf oeq, %select_n3A_240, %eq3A_276 : vector<1024x128xf32>
      %jit3A_278 = arith.constant -3.000000e+00 : f32
      %broadcast_in_dim3A_279 = vector.broadcast %jit3A_278 : f32 to vector<1024x128xf32>
      %select_n3A_280 = arith.select %eq3A_277, %broadcast_in_dim3A_279, %select_n3A_240 : vector<1024x128xi1>, vector<1024x128xf32>
      %eq3A_281 = vector.broadcast %max3A_260 : vector<1024x1xf32> to vector<1024x128xf32>
      %eq3A_282 = arith.cmpf oeq, %select_n3A_245, %eq3A_281 : vector<1024x128xf32>
      %jit3A_283 = arith.constant -3.000000e+00 : f32
      %broadcast_in_dim3A_284 = vector.broadcast %jit3A_283 : f32 to vector<1024x128xf32>
      %select_n3A_285 = arith.select %eq3A_282, %broadcast_in_dim3A_284, %select_n3A_245 : vector<1024x128xi1>, vector<1024x128xf32>
      %reduce_max3A_286 = arith.constant dense<0xFF800000> : vector<1024xf32>
      %reduce_max3A_287 = vector.multi_reduction <maximumf>, %select_n3A_270, %reduce_max3A_286 [1] : vector<1024x128xf32> to vector<1024xf32>
      %broadcast_in_dim3A_288 = vector.shape_cast %reduce_max3A_287 : vector<1024xf32> to vector<1024x1xf32>
      %reduce_max3A_289 = arith.constant dense<0xFF800000> : vector<1024xf32>
      %reduce_max3A_290 = vector.multi_reduction <maximumf>, %select_n3A_275, %reduce_max3A_289 [1] : vector<1024x128xf32> to vector<1024xf32>
      %broadcast_in_dim3A_291 = vector.shape_cast %reduce_max3A_290 : vector<1024xf32> to vector<1024x1xf32>
      %max3A_292 = arith.maximumf %broadcast_in_dim3A_288, %broadcast_in_dim3A_291 : vector<1024x1xf32>
      %reduce_max3A_293 = arith.constant dense<0xFF800000> : vector<1024xf32>
      %reduce_max3A_294 = vector.multi_reduction <maximumf>, %select_n3A_280, %reduce_max3A_293 [1] : vector<1024x128xf32> to vector<1024xf32>
      %broadcast_in_dim3A_295 = vector.shape_cast %reduce_max3A_294 : vector<1024xf32> to vector<1024x1xf32>
      %max3A_296 = arith.maximumf %max3A_292, %broadcast_in_dim3A_295 : vector<1024x1xf32>
      %reduce_max3A_297 = arith.constant dense<0xFF800000> : vector<1024xf32>
      %reduce_max3A_298 = vector.multi_reduction <maximumf>, %select_n3A_285, %reduce_max3A_297 [1] : vector<1024x128xf32> to vector<1024xf32>
      %broadcast_in_dim3A_299 = vector.shape_cast %reduce_max3A_298 : vector<1024xf32> to vector<1024x1xf32>
      %max3A_300 = arith.maximumf %max3A_296, %broadcast_in_dim3A_299 : vector<1024x1xf32>
      %add3A_301 = arith.addf %sub3A_195, %max3A_300 : vector<1024x1xf32>
      %max3A_302 = arith.constant 0.000000e+00 : f32
      %max3A_303 = vector.broadcast %max3A_302 : f32 to vector<1024x1xf32>
      %max3A_304 = arith.maximumf %add3A_301, %max3A_303 : vector<1024x1xf32>
      %add3A_305 = arith.addf %add3A_265, %max3A_304 : vector<1024x1xf32>
      %eq3A_306 = vector.broadcast %max3A_300 : vector<1024x1xf32> to vector<1024x128xf32>
      %eq3A_307 = arith.cmpf oeq, %select_n3A_270, %eq3A_306 : vector<1024x128xf32>
      %jit3A_308 = arith.constant -3.000000e+00 : f32
      %broadcast_in_dim3A_309 = vector.broadcast %jit3A_308 : f32 to vector<1024x128xf32>
      %select_n3A_310 = arith.select %eq3A_307, %broadcast_in_dim3A_309, %select_n3A_270 : vector<1024x128xi1>, vector<1024x128xf32>
      %eq3A_311 = vector.broadcast %max3A_300 : vector<1024x1xf32> to vector<1024x128xf32>
      %eq3A_312 = arith.cmpf oeq, %select_n3A_275, %eq3A_311 : vector<1024x128xf32>
      %jit3A_313 = arith.constant -3.000000e+00 : f32
      %broadcast_in_dim3A_314 = vector.broadcast %jit3A_313 : f32 to vector<1024x128xf32>
      %select_n3A_315 = arith.select %eq3A_312, %broadcast_in_dim3A_314, %select_n3A_275 : vector<1024x128xi1>, vector<1024x128xf32>
      %eq3A_316 = vector.broadcast %max3A_300 : vector<1024x1xf32> to vector<1024x128xf32>
      %eq3A_317 = arith.cmpf oeq, %select_n3A_280, %eq3A_316 : vector<1024x128xf32>
      %jit3A_318 = arith.constant -3.000000e+00 : f32
      %broadcast_in_dim3A_319 = vector.broadcast %jit3A_318 : f32 to vector<1024x128xf32>
      %select_n3A_320 = arith.select %eq3A_317, %broadcast_in_dim3A_319, %select_n3A_280 : vector<1024x128xi1>, vector<1024x128xf32>
      %eq3A_321 = vector.broadcast %max3A_300 : vector<1024x1xf32> to vector<1024x128xf32>
      %eq3A_322 = arith.cmpf oeq, %select_n3A_285, %eq3A_321 : vector<1024x128xf32>
      %jit3A_323 = arith.constant -3.000000e+00 : f32
      %broadcast_in_dim3A_324 = vector.broadcast %jit3A_323 : f32 to vector<1024x128xf32>
      %select_n3A_325 = arith.select %eq3A_322, %broadcast_in_dim3A_324, %select_n3A_285 : vector<1024x128xi1>, vector<1024x128xf32>
      %reduce_max3A_326 = arith.constant dense<0xFF800000> : vector<1024xf32>
      %reduce_max3A_327 = vector.multi_reduction <maximumf>, %select_n3A_310, %reduce_max3A_326 [1] : vector<1024x128xf32> to vector<1024xf32>
      %broadcast_in_dim3A_328 = vector.shape_cast %reduce_max3A_327 : vector<1024xf32> to vector<1024x1xf32>
      %reduce_max3A_329 = arith.constant dense<0xFF800000> : vector<1024xf32>
      %reduce_max3A_330 = vector.multi_reduction <maximumf>, %select_n3A_315, %reduce_max3A_329 [1] : vector<1024x128xf32> to vector<1024xf32>
      %broadcast_in_dim3A_331 = vector.shape_cast %reduce_max3A_330 : vector<1024xf32> to vector<1024x1xf32>
      %max3A_332 = arith.maximumf %broadcast_in_dim3A_328, %broadcast_in_dim3A_331 : vector<1024x1xf32>
      %reduce_max3A_333 = arith.constant dense<0xFF800000> : vector<1024xf32>
      %reduce_max3A_334 = vector.multi_reduction <maximumf>, %select_n3A_320, %reduce_max3A_333 [1] : vector<1024x128xf32> to vector<1024xf32>
      %broadcast_in_dim3A_335 = vector.shape_cast %reduce_max3A_334 : vector<1024xf32> to vector<1024x1xf32>
      %max3A_336 = arith.maximumf %max3A_332, %broadcast_in_dim3A_335 : vector<1024x1xf32>
      %reduce_max3A_337 = arith.constant dense<0xFF800000> : vector<1024xf32>
      %reduce_max3A_338 = vector.multi_reduction <maximumf>, %select_n3A_325, %reduce_max3A_337 [1] : vector<1024x128xf32> to vector<1024xf32>
      %broadcast_in_dim3A_339 = vector.shape_cast %reduce_max3A_338 : vector<1024xf32> to vector<1024x1xf32>
      %max3A_340 = arith.maximumf %max3A_336, %broadcast_in_dim3A_339 : vector<1024x1xf32>
      %add3A_341 = arith.addf %sub3A_195, %max3A_340 : vector<1024x1xf32>
      %max3A_342 = arith.constant 0.000000e+00 : f32
      %max3A_343 = vector.broadcast %max3A_342 : f32 to vector<1024x1xf32>
      %max3A_344 = arith.maximumf %add3A_341, %max3A_343 : vector<1024x1xf32>
      %add3A_345 = arith.addf %add3A_305, %max3A_344 : vector<1024x1xf32>
      %eq3A_346 = vector.broadcast %max3A_340 : vector<1024x1xf32> to vector<1024x128xf32>
      %eq3A_347 = arith.cmpf oeq, %select_n3A_310, %eq3A_346 : vector<1024x128xf32>
      %jit3A_348 = arith.constant -3.000000e+00 : f32
      %broadcast_in_dim3A_349 = vector.broadcast %jit3A_348 : f32 to vector<1024x128xf32>
      %select_n3A_350 = arith.select %eq3A_347, %broadcast_in_dim3A_349, %select_n3A_310 : vector<1024x128xi1>, vector<1024x128xf32>
      %eq3A_351 = vector.broadcast %max3A_340 : vector<1024x1xf32> to vector<1024x128xf32>
      %eq3A_352 = arith.cmpf oeq, %select_n3A_315, %eq3A_351 : vector<1024x128xf32>
      %jit3A_353 = arith.constant -3.000000e+00 : f32
      %broadcast_in_dim3A_354 = vector.broadcast %jit3A_353 : f32 to vector<1024x128xf32>
      %select_n3A_355 = arith.select %eq3A_352, %broadcast_in_dim3A_354, %select_n3A_315 : vector<1024x128xi1>, vector<1024x128xf32>
      %eq3A_356 = vector.broadcast %max3A_340 : vector<1024x1xf32> to vector<1024x128xf32>
      %eq3A_357 = arith.cmpf oeq, %select_n3A_320, %eq3A_356 : vector<1024x128xf32>
      %jit3A_358 = arith.constant -3.000000e+00 : f32
      %broadcast_in_dim3A_359 = vector.broadcast %jit3A_358 : f32 to vector<1024x128xf32>
      %select_n3A_360 = arith.select %eq3A_357, %broadcast_in_dim3A_359, %select_n3A_320 : vector<1024x128xi1>, vector<1024x128xf32>
      %eq3A_361 = vector.broadcast %max3A_340 : vector<1024x1xf32> to vector<1024x128xf32>
      %eq3A_362 = arith.cmpf oeq, %select_n3A_325, %eq3A_361 : vector<1024x128xf32>
      %jit3A_363 = arith.constant -3.000000e+00 : f32
      %broadcast_in_dim3A_364 = vector.broadcast %jit3A_363 : f32 to vector<1024x128xf32>
      %select_n3A_365 = arith.select %eq3A_362, %broadcast_in_dim3A_364, %select_n3A_325 : vector<1024x128xi1>, vector<1024x128xf32>
      %reduce_max3A_366 = arith.constant dense<0xFF800000> : vector<1024xf32>
      %reduce_max3A_367 = vector.multi_reduction <maximumf>, %select_n3A_350, %reduce_max3A_366 [1] : vector<1024x128xf32> to vector<1024xf32>
      %broadcast_in_dim3A_368 = vector.shape_cast %reduce_max3A_367 : vector<1024xf32> to vector<1024x1xf32>
      %reduce_max3A_369 = arith.constant dense<0xFF800000> : vector<1024xf32>
      %reduce_max3A_370 = vector.multi_reduction <maximumf>, %select_n3A_355, %reduce_max3A_369 [1] : vector<1024x128xf32> to vector<1024xf32>
      %broadcast_in_dim3A_371 = vector.shape_cast %reduce_max3A_370 : vector<1024xf32> to vector<1024x1xf32>
      %max3A_372 = arith.maximumf %broadcast_in_dim3A_368, %broadcast_in_dim3A_371 : vector<1024x1xf32>
      %reduce_max3A_373 = arith.constant dense<0xFF800000> : vector<1024xf32>
      %reduce_max3A_374 = vector.multi_reduction <maximumf>, %select_n3A_360, %reduce_max3A_373 [1] : vector<1024x128xf32> to vector<1024xf32>
      %broadcast_in_dim3A_375 = vector.shape_cast %reduce_max3A_374 : vector<1024xf32> to vector<1024x1xf32>
      %max3A_376 = arith.maximumf %max3A_372, %broadcast_in_dim3A_375 : vector<1024x1xf32>
      %reduce_max3A_377 = arith.constant dense<0xFF800000> : vector<1024xf32>
      %reduce_max3A_378 = vector.multi_reduction <maximumf>, %select_n3A_365, %reduce_max3A_377 [1] : vector<1024x128xf32> to vector<1024xf32>
      %broadcast_in_dim3A_379 = vector.shape_cast %reduce_max3A_378 : vector<1024xf32> to vector<1024x1xf32>
      %max3A_380 = arith.maximumf %max3A_376, %broadcast_in_dim3A_379 : vector<1024x1xf32>
      %add3A_381 = arith.addf %sub3A_195, %max3A_380 : vector<1024x1xf32>
      %max3A_382 = arith.constant 0.000000e+00 : f32
      %max3A_383 = vector.broadcast %max3A_382 : f32 to vector<1024x1xf32>
      %max3A_384 = arith.maximumf %add3A_381, %max3A_383 : vector<1024x1xf32>
      %add3A_385 = arith.addf %add3A_345, %max3A_384 : vector<1024x1xf32>
      %eq3A_386 = vector.broadcast %max3A_380 : vector<1024x1xf32> to vector<1024x128xf32>
      %eq3A_387 = arith.cmpf oeq, %select_n3A_350, %eq3A_386 : vector<1024x128xf32>
      %jit3A_388 = arith.constant -3.000000e+00 : f32
      %broadcast_in_dim3A_389 = vector.broadcast %jit3A_388 : f32 to vector<1024x128xf32>
      %select_n3A_390 = arith.select %eq3A_387, %broadcast_in_dim3A_389, %select_n3A_350 : vector<1024x128xi1>, vector<1024x128xf32>
      %eq3A_391 = vector.broadcast %max3A_380 : vector<1024x1xf32> to vector<1024x128xf32>
      %eq3A_392 = arith.cmpf oeq, %select_n3A_355, %eq3A_391 : vector<1024x128xf32>
      %jit3A_393 = arith.constant -3.000000e+00 : f32
      %broadcast_in_dim3A_394 = vector.broadcast %jit3A_393 : f32 to vector<1024x128xf32>
      %select_n3A_395 = arith.select %eq3A_392, %broadcast_in_dim3A_394, %select_n3A_355 : vector<1024x128xi1>, vector<1024x128xf32>
      %eq3A_396 = vector.broadcast %max3A_380 : vector<1024x1xf32> to vector<1024x128xf32>
      %eq3A_397 = arith.cmpf oeq, %select_n3A_360, %eq3A_396 : vector<1024x128xf32>
      %jit3A_398 = arith.constant -3.000000e+00 : f32
      %broadcast_in_dim3A_399 = vector.broadcast %jit3A_398 : f32 to vector<1024x128xf32>
      %select_n3A_400 = arith.select %eq3A_397, %broadcast_in_dim3A_399, %select_n3A_360 : vector<1024x128xi1>, vector<1024x128xf32>
      %eq3A_401 = vector.broadcast %max3A_380 : vector<1024x1xf32> to vector<1024x128xf32>
      %eq3A_402 = arith.cmpf oeq, %select_n3A_365, %eq3A_401 : vector<1024x128xf32>
      %jit3A_403 = arith.constant -3.000000e+00 : f32
      %broadcast_in_dim3A_404 = vector.broadcast %jit3A_403 : f32 to vector<1024x128xf32>
      %select_n3A_405 = arith.select %eq3A_402, %broadcast_in_dim3A_404, %select_n3A_365 : vector<1024x128xi1>, vector<1024x128xf32>
      %reduce_max3A_406 = arith.constant dense<0xFF800000> : vector<1024xf32>
      %reduce_max3A_407 = vector.multi_reduction <maximumf>, %select_n3A_390, %reduce_max3A_406 [1] : vector<1024x128xf32> to vector<1024xf32>
      %broadcast_in_dim3A_408 = vector.shape_cast %reduce_max3A_407 : vector<1024xf32> to vector<1024x1xf32>
      %reduce_max3A_409 = arith.constant dense<0xFF800000> : vector<1024xf32>
      %reduce_max3A_410 = vector.multi_reduction <maximumf>, %select_n3A_395, %reduce_max3A_409 [1] : vector<1024x128xf32> to vector<1024xf32>
      %broadcast_in_dim3A_411 = vector.shape_cast %reduce_max3A_410 : vector<1024xf32> to vector<1024x1xf32>
      %max3A_412 = arith.maximumf %broadcast_in_dim3A_408, %broadcast_in_dim3A_411 : vector<1024x1xf32>
      %reduce_max3A_413 = arith.constant dense<0xFF800000> : vector<1024xf32>
      %reduce_max3A_414 = vector.multi_reduction <maximumf>, %select_n3A_400, %reduce_max3A_413 [1] : vector<1024x128xf32> to vector<1024xf32>
      %broadcast_in_dim3A_415 = vector.shape_cast %reduce_max3A_414 : vector<1024xf32> to vector<1024x1xf32>
      %max3A_416 = arith.maximumf %max3A_412, %broadcast_in_dim3A_415 : vector<1024x1xf32>
      %reduce_max3A_417 = arith.constant dense<0xFF800000> : vector<1024xf32>
      %reduce_max3A_418 = vector.multi_reduction <maximumf>, %select_n3A_405, %reduce_max3A_417 [1] : vector<1024x128xf32> to vector<1024xf32>
      %broadcast_in_dim3A_419 = vector.shape_cast %reduce_max3A_418 : vector<1024xf32> to vector<1024x1xf32>
      %max3A_420 = arith.maximumf %max3A_416, %broadcast_in_dim3A_419 : vector<1024x1xf32>
      %add3A_421 = arith.addf %sub3A_195, %max3A_420 : vector<1024x1xf32>
      %max3A_422 = arith.constant 0.000000e+00 : f32
      %max3A_423 = vector.broadcast %max3A_422 : f32 to vector<1024x1xf32>
      %max3A_424 = arith.maximumf %add3A_421, %max3A_423 : vector<1024x1xf32>
      %add3A_425 = arith.addf %add3A_385, %max3A_424 : vector<1024x1xf32>
      %eq3A_426 = vector.broadcast %max3A_420 : vector<1024x1xf32> to vector<1024x128xf32>
      %eq3A_427 = arith.cmpf oeq, %select_n3A_390, %eq3A_426 : vector<1024x128xf32>
      %jit3A_428 = arith.constant -3.000000e+00 : f32
      %broadcast_in_dim3A_429 = vector.broadcast %jit3A_428 : f32 to vector<1024x128xf32>
      %select_n3A_430 = arith.select %eq3A_427, %broadcast_in_dim3A_429, %select_n3A_390 : vector<1024x128xi1>, vector<1024x128xf32>
      %eq3A_431 = vector.broadcast %max3A_420 : vector<1024x1xf32> to vector<1024x128xf32>
      %eq3A_432 = arith.cmpf oeq, %select_n3A_395, %eq3A_431 : vector<1024x128xf32>
      %jit3A_433 = arith.constant -3.000000e+00 : f32
      %broadcast_in_dim3A_434 = vector.broadcast %jit3A_433 : f32 to vector<1024x128xf32>
      %select_n3A_435 = arith.select %eq3A_432, %broadcast_in_dim3A_434, %select_n3A_395 : vector<1024x128xi1>, vector<1024x128xf32>
      %eq3A_436 = vector.broadcast %max3A_420 : vector<1024x1xf32> to vector<1024x128xf32>
      %eq3A_437 = arith.cmpf oeq, %select_n3A_400, %eq3A_436 : vector<1024x128xf32>
      %jit3A_438 = arith.constant -3.000000e+00 : f32
      %broadcast_in_dim3A_439 = vector.broadcast %jit3A_438 : f32 to vector<1024x128xf32>
      %select_n3A_440 = arith.select %eq3A_437, %broadcast_in_dim3A_439, %select_n3A_400 : vector<1024x128xi1>, vector<1024x128xf32>
      %eq3A_441 = vector.broadcast %max3A_420 : vector<1024x1xf32> to vector<1024x128xf32>
      %eq3A_442 = arith.cmpf oeq, %select_n3A_405, %eq3A_441 : vector<1024x128xf32>
      %jit3A_443 = arith.constant -3.000000e+00 : f32
      %broadcast_in_dim3A_444 = vector.broadcast %jit3A_443 : f32 to vector<1024x128xf32>
      %select_n3A_445 = arith.select %eq3A_442, %broadcast_in_dim3A_444, %select_n3A_405 : vector<1024x128xi1>, vector<1024x128xf32>
      %reduce_max3A_446 = arith.constant dense<0xFF800000> : vector<1024xf32>
      %reduce_max3A_447 = vector.multi_reduction <maximumf>, %select_n3A_430, %reduce_max3A_446 [1] : vector<1024x128xf32> to vector<1024xf32>
      %broadcast_in_dim3A_448 = vector.shape_cast %reduce_max3A_447 : vector<1024xf32> to vector<1024x1xf32>
      %reduce_max3A_449 = arith.constant dense<0xFF800000> : vector<1024xf32>
      %reduce_max3A_450 = vector.multi_reduction <maximumf>, %select_n3A_435, %reduce_max3A_449 [1] : vector<1024x128xf32> to vector<1024xf32>
      %broadcast_in_dim3A_451 = vector.shape_cast %reduce_max3A_450 : vector<1024xf32> to vector<1024x1xf32>
      %max3A_452 = arith.maximumf %broadcast_in_dim3A_448, %broadcast_in_dim3A_451 : vector<1024x1xf32>
      %reduce_max3A_453 = arith.constant dense<0xFF800000> : vector<1024xf32>
      %reduce_max3A_454 = vector.multi_reduction <maximumf>, %select_n3A_440, %reduce_max3A_453 [1] : vector<1024x128xf32> to vector<1024xf32>
      %broadcast_in_dim3A_455 = vector.shape_cast %reduce_max3A_454 : vector<1024xf32> to vector<1024x1xf32>
      %max3A_456 = arith.maximumf %max3A_452, %broadcast_in_dim3A_455 : vector<1024x1xf32>
      %reduce_max3A_457 = arith.constant dense<0xFF800000> : vector<1024xf32>
      %reduce_max3A_458 = vector.multi_reduction <maximumf>, %select_n3A_445, %reduce_max3A_457 [1] : vector<1024x128xf32> to vector<1024xf32>
      %broadcast_in_dim3A_459 = vector.shape_cast %reduce_max3A_458 : vector<1024xf32> to vector<1024x1xf32>
      %max3A_460 = arith.maximumf %max3A_456, %broadcast_in_dim3A_459 : vector<1024x1xf32>
      %add3A_461 = arith.addf %sub3A_195, %max3A_460 : vector<1024x1xf32>
      %max3A_462 = arith.constant 0.000000e+00 : f32
      %max3A_463 = vector.broadcast %max3A_462 : f32 to vector<1024x1xf32>
      %max3A_464 = arith.maximumf %add3A_461, %max3A_463 : vector<1024x1xf32>
      %add3A_465 = arith.addf %add3A_425, %max3A_464 : vector<1024x1xf32>
      %eq3A_466 = vector.broadcast %max3A_460 : vector<1024x1xf32> to vector<1024x128xf32>
      %eq3A_467 = arith.cmpf oeq, %select_n3A_430, %eq3A_466 : vector<1024x128xf32>
      %jit3A_468 = arith.constant -3.000000e+00 : f32
      %broadcast_in_dim3A_469 = vector.broadcast %jit3A_468 : f32 to vector<1024x128xf32>
      %select_n3A_470 = arith.select %eq3A_467, %broadcast_in_dim3A_469, %select_n3A_430 : vector<1024x128xi1>, vector<1024x128xf32>
      %eq3A_471 = vector.broadcast %max3A_460 : vector<1024x1xf32> to vector<1024x128xf32>
      %eq3A_472 = arith.cmpf oeq, %select_n3A_435, %eq3A_471 : vector<1024x128xf32>
      %jit3A_473 = arith.constant -3.000000e+00 : f32
      %broadcast_in_dim3A_474 = vector.broadcast %jit3A_473 : f32 to vector<1024x128xf32>
      %select_n3A_475 = arith.select %eq3A_472, %broadcast_in_dim3A_474, %select_n3A_435 : vector<1024x128xi1>, vector<1024x128xf32>
      %eq3A_476 = vector.broadcast %max3A_460 : vector<1024x1xf32> to vector<1024x128xf32>
      %eq3A_477 = arith.cmpf oeq, %select_n3A_440, %eq3A_476 : vector<1024x128xf32>
      %jit3A_478 = arith.constant -3.000000e+00 : f32
      %broadcast_in_dim3A_479 = vector.broadcast %jit3A_478 : f32 to vector<1024x128xf32>
      %select_n3A_480 = arith.select %eq3A_477, %broadcast_in_dim3A_479, %select_n3A_440 : vector<1024x128xi1>, vector<1024x128xf32>
      %eq3A_481 = vector.broadcast %max3A_460 : vector<1024x1xf32> to vector<1024x128xf32>
      %eq3A_482 = arith.cmpf oeq, %select_n3A_445, %eq3A_481 : vector<1024x128xf32>
      %jit3A_483 = arith.constant -3.000000e+00 : f32
      %broadcast_in_dim3A_484 = vector.broadcast %jit3A_483 : f32 to vector<1024x128xf32>
      %select_n3A_485 = arith.select %eq3A_482, %broadcast_in_dim3A_484, %select_n3A_445 : vector<1024x128xi1>, vector<1024x128xf32>
      %reduce_max3A_486 = arith.constant dense<0xFF800000> : vector<1024xf32>
      %reduce_max3A_487 = vector.multi_reduction <maximumf>, %select_n3A_470, %reduce_max3A_486 [1] : vector<1024x128xf32> to vector<1024xf32>
      %broadcast_in_dim3A_488 = vector.shape_cast %reduce_max3A_487 : vector<1024xf32> to vector<1024x1xf32>
      %reduce_max3A_489 = arith.constant dense<0xFF800000> : vector<1024xf32>
      %reduce_max3A_490 = vector.multi_reduction <maximumf>, %select_n3A_475, %reduce_max3A_489 [1] : vector<1024x128xf32> to vector<1024xf32>
      %broadcast_in_dim3A_491 = vector.shape_cast %reduce_max3A_490 : vector<1024xf32> to vector<1024x1xf32>
      %max3A_492 = arith.maximumf %broadcast_in_dim3A_488, %broadcast_in_dim3A_491 : vector<1024x1xf32>
      %reduce_max3A_493 = arith.constant dense<0xFF800000> : vector<1024xf32>
      %reduce_max3A_494 = vector.multi_reduction <maximumf>, %select_n3A_480, %reduce_max3A_493 [1] : vector<1024x128xf32> to vector<1024xf32>
      %broadcast_in_dim3A_495 = vector.shape_cast %reduce_max3A_494 : vector<1024xf32> to vector<1024x1xf32>
      %max3A_496 = arith.maximumf %max3A_492, %broadcast_in_dim3A_495 : vector<1024x1xf32>
      %reduce_max3A_497 = arith.constant dense<0xFF800000> : vector<1024xf32>
      %reduce_max3A_498 = vector.multi_reduction <maximumf>, %select_n3A_485, %reduce_max3A_497 [1] : vector<1024x128xf32> to vector<1024xf32>
      %broadcast_in_dim3A_499 = vector.shape_cast %reduce_max3A_498 : vector<1024xf32> to vector<1024x1xf32>
      %max3A_500 = arith.maximumf %max3A_496, %broadcast_in_dim3A_499 : vector<1024x1xf32>
      %add3A_501 = arith.addf %sub3A_195, %max3A_500 : vector<1024x1xf32>
      %max3A_502 = arith.constant 0.000000e+00 : f32
      %max3A_503 = vector.broadcast %max3A_502 : f32 to vector<1024x1xf32>
      %max3A_504 = arith.maximumf %add3A_501, %max3A_503 : vector<1024x1xf32>
      %add3A_505 = arith.addf %add3A_465, %max3A_504 : vector<1024x1xf32>
      %eq3A_506 = vector.broadcast %max3A_500 : vector<1024x1xf32> to vector<1024x128xf32>
      %eq3A_507 = arith.cmpf oeq, %select_n3A_470, %eq3A_506 : vector<1024x128xf32>
      %jit3A_508 = arith.constant -3.000000e+00 : f32
      %broadcast_in_dim3A_509 = vector.broadcast %jit3A_508 : f32 to vector<1024x128xf32>
      %select_n3A_510 = arith.select %eq3A_507, %broadcast_in_dim3A_509, %select_n3A_470 : vector<1024x128xi1>, vector<1024x128xf32>
      %eq3A_511 = vector.broadcast %max3A_500 : vector<1024x1xf32> to vector<1024x128xf32>
      %eq3A_512 = arith.cmpf oeq, %select_n3A_475, %eq3A_511 : vector<1024x128xf32>
      %jit3A_513 = arith.constant -3.000000e+00 : f32
      %broadcast_in_dim3A_514 = vector.broadcast %jit3A_513 : f32 to vector<1024x128xf32>
      %select_n3A_515 = arith.select %eq3A_512, %broadcast_in_dim3A_514, %select_n3A_475 : vector<1024x128xi1>, vector<1024x128xf32>
      %eq3A_516 = vector.broadcast %max3A_500 : vector<1024x1xf32> to vector<1024x128xf32>
      %eq3A_517 = arith.cmpf oeq, %select_n3A_480, %eq3A_516 : vector<1024x128xf32>
      %jit3A_518 = arith.constant -3.000000e+00 : f32
      %broadcast_in_dim3A_519 = vector.broadcast %jit3A_518 : f32 to vector<1024x128xf32>
      %select_n3A_520 = arith.select %eq3A_517, %broadcast_in_dim3A_519, %select_n3A_480 : vector<1024x128xi1>, vector<1024x128xf32>
      %eq3A_521 = vector.broadcast %max3A_500 : vector<1024x1xf32> to vector<1024x128xf32>
      %eq3A_522 = arith.cmpf oeq, %select_n3A_485, %eq3A_521 : vector<1024x128xf32>
      %jit3A_523 = arith.constant -3.000000e+00 : f32
      %broadcast_in_dim3A_524 = vector.broadcast %jit3A_523 : f32 to vector<1024x128xf32>
      %select_n3A_525 = arith.select %eq3A_522, %broadcast_in_dim3A_524, %select_n3A_485 : vector<1024x128xi1>, vector<1024x128xf32>
      %reduce_max3A_526 = arith.constant dense<0xFF800000> : vector<1024xf32>
      %reduce_max3A_527 = vector.multi_reduction <maximumf>, %select_n3A_510, %reduce_max3A_526 [1] : vector<1024x128xf32> to vector<1024xf32>
      %broadcast_in_dim3A_528 = vector.shape_cast %reduce_max3A_527 : vector<1024xf32> to vector<1024x1xf32>
      %reduce_max3A_529 = arith.constant dense<0xFF800000> : vector<1024xf32>
      %reduce_max3A_530 = vector.multi_reduction <maximumf>, %select_n3A_515, %reduce_max3A_529 [1] : vector<1024x128xf32> to vector<1024xf32>
      %broadcast_in_dim3A_531 = vector.shape_cast %reduce_max3A_530 : vector<1024xf32> to vector<1024x1xf32>
      %max3A_532 = arith.maximumf %broadcast_in_dim3A_528, %broadcast_in_dim3A_531 : vector<1024x1xf32>
      %reduce_max3A_533 = arith.constant dense<0xFF800000> : vector<1024xf32>
      %reduce_max3A_534 = vector.multi_reduction <maximumf>, %select_n3A_520, %reduce_max3A_533 [1] : vector<1024x128xf32> to vector<1024xf32>
      %broadcast_in_dim3A_535 = vector.shape_cast %reduce_max3A_534 : vector<1024xf32> to vector<1024x1xf32>
      %max3A_536 = arith.maximumf %max3A_532, %broadcast_in_dim3A_535 : vector<1024x1xf32>
      %reduce_max3A_537 = arith.constant dense<0xFF800000> : vector<1024xf32>
      %reduce_max3A_538 = vector.multi_reduction <maximumf>, %select_n3A_525, %reduce_max3A_537 [1] : vector<1024x128xf32> to vector<1024xf32>
      %broadcast_in_dim3A_539 = vector.shape_cast %reduce_max3A_538 : vector<1024xf32> to vector<1024x1xf32>
      %max3A_540 = arith.maximumf %max3A_536, %broadcast_in_dim3A_539 : vector<1024x1xf32>
      %add3A_541 = arith.addf %sub3A_195, %max3A_540 : vector<1024x1xf32>
      %max3A_542 = arith.constant 0.000000e+00 : f32
      %max3A_543 = vector.broadcast %max3A_542 : f32 to vector<1024x1xf32>
      %max3A_544 = arith.maximumf %add3A_541, %max3A_543 : vector<1024x1xf32>
      %add3A_545 = arith.addf %add3A_505, %max3A_544 : vector<1024x1xf32>
      %eq3A_546 = vector.broadcast %max3A_540 : vector<1024x1xf32> to vector<1024x128xf32>
      %eq3A_547 = arith.cmpf oeq, %select_n3A_510, %eq3A_546 : vector<1024x128xf32>
      %jit3A_548 = arith.constant -3.000000e+00 : f32
      %broadcast_in_dim3A_549 = vector.broadcast %jit3A_548 : f32 to vector<1024x128xf32>
      %select_n3A_550 = arith.select %eq3A_547, %broadcast_in_dim3A_549, %select_n3A_510 : vector<1024x128xi1>, vector<1024x128xf32>
      %eq3A_551 = vector.broadcast %max3A_540 : vector<1024x1xf32> to vector<1024x128xf32>
      %eq3A_552 = arith.cmpf oeq, %select_n3A_515, %eq3A_551 : vector<1024x128xf32>
      %jit3A_553 = arith.constant -3.000000e+00 : f32
      %broadcast_in_dim3A_554 = vector.broadcast %jit3A_553 : f32 to vector<1024x128xf32>
      %select_n3A_555 = arith.select %eq3A_552, %broadcast_in_dim3A_554, %select_n3A_515 : vector<1024x128xi1>, vector<1024x128xf32>
      %eq3A_556 = vector.broadcast %max3A_540 : vector<1024x1xf32> to vector<1024x128xf32>
      %eq3A_557 = arith.cmpf oeq, %select_n3A_520, %eq3A_556 : vector<1024x128xf32>
      %jit3A_558 = arith.constant -3.000000e+00 : f32
      %broadcast_in_dim3A_559 = vector.broadcast %jit3A_558 : f32 to vector<1024x128xf32>
      %select_n3A_560 = arith.select %eq3A_557, %broadcast_in_dim3A_559, %select_n3A_520 : vector<1024x128xi1>, vector<1024x128xf32>
      %eq3A_561 = vector.broadcast %max3A_540 : vector<1024x1xf32> to vector<1024x128xf32>
      %eq3A_562 = arith.cmpf oeq, %select_n3A_525, %eq3A_561 : vector<1024x128xf32>
      %jit3A_563 = arith.constant -3.000000e+00 : f32
      %broadcast_in_dim3A_564 = vector.broadcast %jit3A_563 : f32 to vector<1024x128xf32>
      %select_n3A_565 = arith.select %eq3A_562, %broadcast_in_dim3A_564, %select_n3A_525 : vector<1024x128xi1>, vector<1024x128xf32>
      %reduce_max3A_566 = arith.constant dense<0xFF800000> : vector<1024xf32>
      %reduce_max3A_567 = vector.multi_reduction <maximumf>, %select_n3A_550, %reduce_max3A_566 [1] : vector<1024x128xf32> to vector<1024xf32>
      %broadcast_in_dim3A_568 = vector.shape_cast %reduce_max3A_567 : vector<1024xf32> to vector<1024x1xf32>
      %reduce_max3A_569 = arith.constant dense<0xFF800000> : vector<1024xf32>
      %reduce_max3A_570 = vector.multi_reduction <maximumf>, %select_n3A_555, %reduce_max3A_569 [1] : vector<1024x128xf32> to vector<1024xf32>
      %broadcast_in_dim3A_571 = vector.shape_cast %reduce_max3A_570 : vector<1024xf32> to vector<1024x1xf32>
      %max3A_572 = arith.maximumf %broadcast_in_dim3A_568, %broadcast_in_dim3A_571 : vector<1024x1xf32>
      %reduce_max3A_573 = arith.constant dense<0xFF800000> : vector<1024xf32>
      %reduce_max3A_574 = vector.multi_reduction <maximumf>, %select_n3A_560, %reduce_max3A_573 [1] : vector<1024x128xf32> to vector<1024xf32>
      %broadcast_in_dim3A_575 = vector.shape_cast %reduce_max3A_574 : vector<1024xf32> to vector<1024x1xf32>
      %max3A_576 = arith.maximumf %max3A_572, %broadcast_in_dim3A_575 : vector<1024x1xf32>
      %reduce_max3A_577 = arith.constant dense<0xFF800000> : vector<1024xf32>
      %reduce_max3A_578 = vector.multi_reduction <maximumf>, %select_n3A_565, %reduce_max3A_577 [1] : vector<1024x128xf32> to vector<1024xf32>
      %broadcast_in_dim3A_579 = vector.shape_cast %reduce_max3A_578 : vector<1024xf32> to vector<1024x1xf32>
      %max3A_580 = arith.maximumf %max3A_576, %broadcast_in_dim3A_579 : vector<1024x1xf32>
      %add3A_581 = arith.addf %sub3A_195, %max3A_580 : vector<1024x1xf32>
      %max3A_582 = arith.constant 0.000000e+00 : f32
      %max3A_583 = vector.broadcast %max3A_582 : f32 to vector<1024x1xf32>
      %max3A_584 = arith.maximumf %add3A_581, %max3A_583 : vector<1024x1xf32>
      %add3A_585 = arith.addf %add3A_545, %max3A_584 : vector<1024x1xf32>
      %reduce_sum3A_586 = vector.shape_cast %add3A_585 : vector<1024x1xf32> to vector<1x1024x1xf32>
      %reduce_sum3A_587 = arith.constant dense<0.000000e+00> : vector<1xf32>
      %reduce_sum3A_588 = vector.multi_reduction <add>, %reduce_sum3A_586, %reduce_sum3A_587 [1, 2] : vector<1x1024x1xf32> to vector<1xf32>
      %reduce_sum3A_589 = vector.shape_cast %reduce_sum3A_588 : vector<1xf32> to vector<1x1x1xf32>
      %reduce_sum3A_590 = vector.extract %reduce_sum3A_589[0, 0, 0] : f32 from vector<1x1x1xf32>
      %div3A_591 = arith.constant 1.024000e+04 : f32
      %div3A_592 = arith.divf %reduce_sum3A_590, %div3A_591 : f32
      %broadcast_in_dim3A_593 = vector.broadcast %div3A_592 : f32 to vector<1x1xf32>
      %swap3A_594 = arith.constant 0 : index
      %swap3A_595 = arith.constant 0 : index
      %swap3A_596 = vector.load %arg4[%swap3A_594, %swap3A_595] : memref<1x1xf32, #tpu.memory_space<vmem>>, vector<1x1xf32>
      tpu.vector_store %arg4[%swap3A_594, %swap3A_595], %broadcast_in_dim3A_593 {strides = array<i32>} : memref<1x1xf32, #tpu.memory_space<vmem>>, vector<1x1xf32>,
    } else {
    }
    return
  }
  func.func @transform_0(%arg0: i32) -> (i32, i32) {
    %c0_i32 = arith.constant 0 : i32
    %c0_i32_0 = arith.constant 0 : i32
    %c0_i32_1 = arith.constant 0 : i32
    return %c0_i32, %c0_i32_0 : i32, i32
  }
  func.func @transform_1(%arg0: i32) -> (i32, i32) {
    %c0_i32 = arith.constant 0 : i32
    %c0_i32_0 = arith.constant 0 : i32
    %c0_i32_1 = arith.constant 0 : i32
    return %c0_i32, %c0_i32_0 : i32, i32
  }
  func.func @transform_2(%arg0: i32) -> (i32, i32) {
    %c0_i32 = arith.constant 0 : i32
    %c0_i32_0 = arith.constant 0 : i32
    return %arg0, %c0_i32 : i32, i32
  }
  func.func @transform_3(%arg0: i32) -> (i32, i32) {
    %c0_i32 = arith.constant 0 : i32
    %c0_i32_0 = arith.constant 0 : i32
    %c0_i32_1 = arith.constant 0 : i32
    return %c0_i32, %c0_i32_0 : i32, i32
  }
}

</mosaic_0001>

<sc_bundles>
// kernel: kernel.5.cloned.1.call-start
scs
__scs_entry_jumppad:
0x0: {  	(pc) =	sbr.rel $0x88, $3  }
0x1: {  	(tag) =	ssettag $0x0;
	lr =	simm.s32 $0x1  }
0x2: {  	[smem:$0x3F9E] =	sst lr;
	_ =	strace $0xD0000000  }
0x3: {  	_ = 	snop  }
0x4: {  	_ = 	snop  }
0x5: {  	_ = 	snop  }
0x6: {  	_ = 	snop  }
0x7: {  	_ = 	snop  }
__scs_overlays_trampoline_lowered:
0x8: {  	[smem:$0x3FAD] =	sst s0  }
0x9: {  	[smem:$0x3FAE] =	sst s1  }
0xa: {  	[smem:$0x3FAF] =	sst s2  }
0xb: {  	[smem:$0x3FB0] =	sst s3  }
0xc: {  	[smem:$0x3FB1] =	sst s4  }
0xd: {  	[smem:$0x3FB2] =	sst s5  }
0xe: {  	[smem:$0x3FB3] =	sst s6  }
0xf: {  	[smem:$0x3FB4] =	sst s7  }
0x10: {  	[smem:$0x3FB5] =	sst s8  }
0x11: {  	[smem:$0x3FB6] =	sst s9;
	s0 =	simm.s32 @!p0 $0x0  }
0x12: {  	s1 =	sld [smem:$0x3F9C];
	s0 =	simm.s32 @p0 $0x1  }
0x13: {  	[smem:$0x3FB7] =	sst s0;
	s0 =	simm.s32 @!p1 $0x0  }
0x14: {  	s2 =	sld [smem:$0x3F9B];
	s0 =	simm.s32 @p1 $0x1  }
0x15: {  	[smem:$0x3FB8] =	sst s0;
	s0 =	simm.s32 @!p2 $0x0  }
0x16: {  	s3 =	sld [smem:$0x3FDB];
	s0 =	simm.s32 @p2 $0x1  }
0x17: {  	s4 =	simm.s32 $0x1BF5;
	[smem:$0x3FBA] =	sst s0  }
0x18: {  	s0 =	sld [smem:$0x3F9D];
	_ =	swait.ge [sflag:s4], $0x0  }
0x19: {  	s7 =	sld [smem:$0x3F9E]  }
0x1a: {  	s8 =	sadd.s32 $0xFFFFE003, lr  }
0x1b: {  	s9 =	sadd.s32 $0xFFFFFEF7, lr;
	s5 =	simm.s32 $0xFFFFFFFF;
	p2 =	slt.u32 s8, $0xFFFFF086  }
0x1c: {  	p1 =	slt.u32 s9, $0xF7A;
	s5 =	simm.s32 @!p2 $0x0  }
0x1d: {  	s5 =	simm.s32 @p1 $0x1;
	p0 =	seq.s32 s7, s2  }
0x1e: {  	s7 =	smul.u32 @!p0 $0xF7A, s2;
	p2 =	seq.s32 @!p0 s5, $0x0  }
0x1f: {  	s9 =	smul.u32 $0xF7A, s1;
	s8 =	simm.s32 @!p0 $0x1BF5;
	p2 =	por !p2, p0  }
0x20: {  	[sflag:s8] =	ssyncset.s32 @!p0 $0xFFFFF086;
	s6 =	sadd.s32 @!p0 s3, s7;
	s7 =	simm.s32 @!p0 $0x108  }
0x21: {  	s3 =	sadd.s32 s3, s9;
	s6 =	sadd.s32 @!p0 $0x88, s6;
	s7 =	simm.s32 @p2 $0x1082  }
0x22: {  	[simem:s7], [sflag:s8] =	dma.local @!p0 [hbm:s6], $0xF7A  }
0x23: {  	s9 =	sor.u32 $0xD0000000, s2;
	s6 =	simm.s32 $0x108;
	_ =	swait.ge @!p0 [sflag:s8], $0x0  }
0x24: {  	s3 =	sadd.s32 $0x88, s3;
	s6 =	simm.s32 @!p1 $0x1082;
	[sflag:s4] =	ssyncset.s32 $0xFFFFF086  }
0x25: {  	[simem:s6], [sflag:s4] =	dma.local [hbm:s3], $0xF7A  }
0x26: {  	[smem:$0x3F9E] =	sst s1;
	(tag) =	ssettag s2;
	_ =	strace s9  }
0x27: {  	s1 =	sld [smem:$0x3FAE]  }
0x28: {  	s2 =	sld [smem:$0x3FAF]  }
0x29: {  	s4 =	sld [smem:$0x3FB1]  }
0x2a: {  	p0 =	seq.s32 s5, $0x0;
	s5 =	sld [smem:$0x3FB2]  }
0x2b: {  	s6 =	sld [smem:$0x3FB3]  }
0x2c: {  	s7 =	sld [smem:$0x3FB4]  }
0x2d: {  	s3 =	simm.s32 $0x108;
	s8 =	sld [smem:$0x3FB5]  }
0x2e: {  	s3 =	simm.s32 @!p0 $0x1082;
	s9 =	sld [smem:$0x3FB6]  }
0x2f: {  	lr =	sadd.s32 s0, s3;
	s0 =	sld [smem:$0x3FAD]  }
0x30: {  	s3 =	sld [smem:$0x3FB0]  }
0x31: {  	[smem:$0x3FB9] =	sst s10  }
0x32: {  	s10 =	sld [smem:$0x3FB7];
	_ =	sdelay $0x3  }
0x33: {  	p0 =	seq.s32 s10, $0x1;
	s10 =	sld [smem:$0x3FB9];
	_ =	sdelay $0x3  }
0x34: {  	[smem:$0x3FB9] =	sst s10  }
0x35: {  	s10 =	sld [smem:$0x3FB8];
	_ =	sdelay $0x3  }
0x36: {  	p1 =	seq.s32 s10, $0x1;
	s10 =	sld [smem:$0x3FB9];
	_ =	sdelay $0x3  }
0x37: {  	[smem:$0x3FB9] =	sst s10  }
0x38: {  	s10 =	sld [smem:$0x3FBA]  }
0x39: {  	_ = 	snop;
	(pc) =	sbr.ind lr, $3  }
0x3a: {  	_ = 	snop  }
0x3b: {  	_ = 	snop  }
0x3c: {  	p2 =	seq.s32 s10, $0x1;
	s10 =	sld [smem:$0x3FB9]  }
0x3d: {  	_ =	shalt  }
0x3e: {  	_ =	shalt  }
0x3f: {  	_ =	shalt  }
0x40: {  	_ =	shalt  }
0x41: {  	_ =	shalt  }
0x42: {  	_ =	shalt  }
0x43: {  	_ =	shalt  }
0x44: {  	_ =	shalt  }
0x45: {  	_ =	shalt  }
0x46: {  	_ =	shalt  }
0x47: {  	_ =	shalt  }
0x48: {  	_ =	shalt  }
0x49: {  	_ =	shalt  }
0x4a: {  	_ =	shalt  }
0x4b: {  	_ =	shalt  }
0x4c: {  	_ =	shalt  }
0x4d: {  	_ =	shalt  }
0x4e: {  	_ =	shalt  }
0x4f: {  	_ =	shalt  }
0x50: {  	_ =	shalt  }
0x51: {  	_ =	shalt  }
0x52: {  	_ =	shalt  }
0x53: {  	_ =	shalt  }
0x54: {  	_ =	shalt  }
0x55: {  	_ =	shalt  }
0x56: {  	_ =	shalt  }
0x57: {  	_ =	shalt  }
0x58: {  	_ =	shalt  }
0x59: {  	_ =	shalt  }
0x5a: {  	_ =	shalt  }
0x5b: {  	_ =	shalt  }
0x5c: {  	_ =	shalt  }
0x5d: {  	_ =	shalt  }
0x5e: {  	_ =	shalt  }
0x5f: {  	_ =	shalt  }
0x60: {  	_ =	shalt  }
0x61: {  	_ =	shalt  }
0x62: {  	_ =	shalt  }
0x63: {  	_ =	shalt  }
0x64: {  	_ =	shalt  }
0x65: {  	_ =	shalt  }
0x66: {  	_ =	shalt  }
0x67: {  	_ =	shalt  }
0x68: {  	_ =	shalt  }
0x69: {  	_ =	shalt  }
0x6a: {  	_ =	shalt  }
0x6b: {  	_ =	shalt  }
0x6c: {  	_ =	shalt  }
0x6d: {  	_ =	shalt  }
0x6e: {  	_ =	shalt  }
0x6f: {  	_ =	shalt  }
0x70: {  	_ =	shalt  }
0x71: {  	_ =	shalt  }
0x72: {  	_ =	shalt  }
0x73: {  	_ =	shalt  }
0x74: {  	_ =	shalt  }
0x75: {  	_ =	shalt  }
0x76: {  	_ =	shalt  }
0x77: {  	_ =	shalt  }
0x78: {  	_ =	shalt  }
0x79: {  	_ =	shalt  }
0x7a: {  	_ =	shalt  }
0x7b: {  	_ =	shalt  }
0x7c: {  	_ =	shalt  }
0x7d: {  	_ =	shalt  }
0x7e: {  	_ =	shalt  }
0x7f: {  	_ =	shalt  }
0x80: {  	_ =	shalt  }
0x81: {  	_ =	shalt  }
0x82: {  	_ =	shalt  }
0x83: {  	_ =	shalt  }
0x84: {  	_ =	shalt  }
0x85: {  	_ =	shalt  }
0x86: {  	_ =	shalt  }
0x87: {  	_ =	shalt  }
.Lfunc_end0:
.L_simem_size_0:
called_computation_lowered:
.L_overlay_start_0:
0x88: {  	s2 =	sld [smem:$0x3FD9]  }
0x89: {  	s3 =	sld [smem:$0x3FFE];
	_ =	sdelay $0x1  }
0x8a: {  	s1 =	srdreg.scid  }
0x8b: {  	s0 =	sand.u32 $0x1, s1  }
0x8c: {  	s17 =	sshll.u32 s0, $0xA;
	s2 =	sadd.s32 s3, s2  }
0x8d: {  	s2 =	sadd.s32 s2, s17  }
0x8e: {  	[smem:$0x3FC5] =	sst s2  }
0x8f: {  	_ = 	snop  }
0x90: {  	s2 =	sld [smem:$0x3FC9]  }
0x91: {  	s18 =	sld [smem:$0x3FC8];
	(tm) =	ssettm $0x1  }
0x92: {  	s4 =	sld [smem:$0x3FFB];
	_ =	sdelay $0x3  }
0x93: {  	_ =	strace s4  }
0x94: {  	s4 =	sld [smem:$0x3FFC];
	_ =	sdelay $0x3  }
0x95: {  	_ =	strace s4  }
0x96: {  	s4 =	sld [smem:$0x3FFD];
	_ =	sdelay $0x3  }
0x97: {  	_ =	strace s4  }
0x98: {  	_ =	strace $0x8FFFFFFF  }
0x99: {  	s19 =	sld [smem:$0x3FDB];
	_ =	sdelay $0x1  }
0x9a: {  	s5 =	simm.s32 $_scs_section_size  }
0x9b: {  	s6 =	simm.s32 $_size__tile_overlayer_lowered;
	s7 =	simm.s32 $_tile_overlayer_lowered  }
0x9c: {  	s22 =	simm.s32 $0x1BFF;
	s21 =	sshll.u32 s7, $0x1;
	s4 =	sadd.s32 s5, s19  }
0x9d: {  	s8 =	simm.s32 $0x0;
	s20 =	sshll.u32 s6, $0x1;
	s6 =	sadd.s32 s21, s4  }
0x9e: {  	[timem:s8], [sflag:s22] =	dma.local [hbm:s6], s20  }
0x9f: {  	_ =	swait.ge [sflag:s22], s20  }
0xa0: {  	s5 =	ssub.s32 $0x0, s20;
	[sflag:s22] =	ssyncset.done $0x0  }
0xa1: {  	[sflag:s22] =	ssyncadd.s32 s5;
	_ =	sdelay $0x1  }
0xa2: {  	s23 =	simm.s32 $0x1B8B  }
0xa3: {  	_ =	swait.ge [sflag:s23], $0x1  }
0xa4: {  	[sflag:s23] =	ssyncset.done $0x0  }
0xa5: {  	s25 =	simm.s32 $0x1B8E;
	s24 =	sld [smem:$0x3FFE];
	[sflag:s23] =	ssyncadd.s32 $0xFFFFFFFF  }
0xa6: {  	s26 =	simm.s32 $execute0_lowered;
	[smem:$0x3FD2] =	sst s25  }
0xa7: {  	s6 =	sshll.u32 s26, $0x1;
	_ =	strace $0x80000046;
	[dreg:$0x1] =	wrdreg $0xFFFFFFFF  }
0xa8: {  	s28 =	simm.s32 $_size_execute0_lowered;
	s4 =	sadd.s32 s4, s6;
	[dreg:$0x0] =	wrdreg $0x0  }
0xa9: {  	s6 =	sshll.u32 s28, $0x1;
	[dreg:$0x2] =	wrdreg s4  }
0xaa: {  	[dreg:$0x3] =	wrdreg s6  }
0xab: {  	[dreg:$0x4] =	wrdreg $0xC0  }
0xac: {  	_ =	task [dreg:s8], $0x5FFFF  }
0xad: {  	[dreg:$0x1] =	wrdreg $0xFFFFFFFF  }
0xae: {  	[dreg:$0x0] =	wrdreg $0x60  }
0xaf: {  	[dreg:$0x2] =	wrdreg s24  }
0xb0: {  	[dreg:$0x3] =	wrdreg s2  }
0xb1: {  	[dreg:$0x4] =	wrdreg s18  }
0xb2: {  	[dreg:$0x5] =	wrdreg $0x9  }
0xb3: {  	_ =	task.clear_ibuf [dreg:s8], $0x6FFFF;
	_ =	strace $0x90000046  }
0xb4: {  	s29 =	simm.s32 $0x9;
	_ =	strace $0x80000048  }
0xb5: {  	_ =	swait.ge [sflag:s29], $0x1  }
0xb6: {  	[sflag:s29] =	ssyncadd.s32 $0xFFFFFFFF  }
0xb7: {  	_ =	strace $0x90000048  }
0xb8: {  	_ =	sfence  }
0xb9: {  	s30 =	sld [smem:$0x0];
	_ =	sdelay $0x2  }
0xba: {  	s31 =	sshll.u32 s1, $0xD;
	s1 =	sshrl.u32 s1, $0x2  }
0xbb: {  	s3 =	sand.u32 $0x4000, s31;
	s1 =	sadd.s32 s1, s30  }
0xbc: {  	s0 =	sor.u32 s3, s0;
	s1 =	sshll.u32 s1, $0x11  }
0xbd: {  	s0 =	sor.u32 s1, s0  }
0xbe: {  	s0 =	sadd.s32 $0x8F2B, s0  }
0xbf: {  	[sflag:s0] =	ssyncadd.remote.s32 $0x1  }
0xc0: {  	_ =	sfence.sel $0xFFFF  }
0xc1: {  	[dreg:$0x0] =	wrdreg $0xFFFFFFFF;
	(pc) =	sbr.abs _section_cstart, $3  }
0xc2: {  	[dreg:$0x1] =	wrdreg $0xFFFFFFFF  }
0xc3: {  	_ =	task.clear_ibuf [dreg:s8], $0x2FFFF;
	_ =	strace $0x9FFFFFFF  }
0xc4: {  	(tm) =	ssettm $0x7FFFFFFF  }
0xc5: {  	_ =	shalt  }
tec
execute0_lowered:
.L_overlay_start_1:
0x0: {  	(tag) =	ssettag $0x1  }
0x1: {  	s1 =	srdreg.scid  }
0x2: {  	s14 =	rddreg [dreg:$0x0];
	s0 =	stileid.u32;
	s15 =	sand.u32 $0x1, s1  }
0x3: {  	s2 =	rddreg [dreg:$0x1];
	s30 =	sshll.u32 s0, $0x6;
	s4 =	sshll.u32 s15, $0x5  }
0x4: {  	s3 =	rddreg [dreg:$0x2];
	s16 =	sor.u32 s4, s30  }
0x5: {  	s1 =	rddreg [dreg:$0x3];
	s4 =	simm.s32 $0x0;
	s5 =	sshrl.u32 s16, $0x3  }
0x6: {  	[smem:$0x7FF] =	sst s4;
	s7 =	sadd.s32 s5, s14  }
0x7: {  	_ =	strace $0x80000047;
	s5 =	simm.s32 $0x3;
	s6 =	sadd.s32 $0x1000, s7  }
0x8: {  	[tilespmem:s4], [sflag:$0x3] =	stream.linear.gather [hbm4b:s6+s4], $0x20, $0x38;
	[tilespmem:$0x2100] =	vst v63  }
0x9: {  	_ =	swait.ge [sflag:s5], $0x20  }
0xa: {  	[sflag:s5] =	ssyncset.done $0x0  }
0xb: {  	s8 =	simm.s32 $0x80;
	s7 =	sadd.s32 $0xE00, s7;
	[sflag:s5] =	ssyncadd.s32 $0xFFFFFFE0  }
0xc: {  	[tilespmem:s8], [sflag:$0x3] =	stream.linear.gather [hbm4b:s7+s4], $0x20, $0x38;
	[tilespmem:$0x2100] =	vst v63  }
0xd: {  	_ =	swait.ge [sflag:s5], $0x20  }
0xe: {  	[sflag:s5] =	ssyncset.done $0x0  }
0xf: {  	s9 =	simm.s32 $0x20;
	s10 =	simm.s32 $0x100;
	[sflag:s5] =	ssyncadd.s32 $0xFFFFFFE0  }
0x10: {  	[tilespmem:s10], [sflag:$0x1] =	stream.indirect.gather [hbm4b:s2+s9], $0x80, s4, s9, $0xb8;
	[tilespmem:$0x2100] =	vst v63  }
0x11: {  	s11 =	simm.s32 $0x1100;
	s12 =	simm.s32 $0x1  }
0x12: {  	[tilespmem:s11], [sflag:$0x2] =	stream.indirect.gather [hbm4b:s3+s9], $0x80, s8, s9, $0xb8;
	[tilespmem:$0x2100] =	vst v63  }
0x13: {  	_ =	swait.ge [sflag:s12], $0x1000  }
0x14: {  	[sflag:s12] =	ssyncset.done $0x0  }
0x15: {  	s13 =	simm.s32 $0x2;
	s15 =	ssub.s32 $0x2, s15;
	[sflag:s12] =	ssyncadd.s32 $0xFFFFF000  }
0x16: {  	s17 =	sshrl.u32 s15, $0x1;
	s16 =	sshll.u32 s16, $0x4;
	_ =	swait.ge [sflag:s13], $0x1000  }
0x17: {  	s17 =	ssub.s32 s15, s17;
	s16 =	sadd.s32 s16, s14;
	[sflag:s13] =	ssyncset.done $0x0  }
0x18: {  	s31 =	smax.u32 s17, $0x1;
	s14 =	sadd.s32 $0x1200, s16;
	[sflag:s13] =	ssyncadd.s32 $0xFFFFF000  }
0x19: {  	[hbm4b:s14+s4] =	stream.linear.scatter [tilespmem:s10], [sflag:$0x3], $0x1000, $0x38;
	[tilespmem:$0x2100] =	vst v63  }
0x1a: {  	p0 =	sne.s32 s31, $0x1;
	_ =	swait.ge [sflag:s5], $0x1000  }
.Ltmp0:
0x1b: {  	[sflag:s5] =	ssyncset.done $0x0;
	(pc) =	sbr.rel @!p0 .LBB2_2-.Ltmp0, $4  }
0x1c: {  	s15 =	sadd.s32 $0x5200, s16;
	[sflag:s5] =	ssyncadd.s32 $0xFFFFF000  }
0x1d: {  	[hbm4b:s15+s4] =	stream.linear.scatter [tilespmem:s11], [sflag:$0x3], $0x1000, $0x38;
	[tilespmem:$0x2100] =	vst v63  }
0x1e: {  	_ =	swait.ge [sflag:s5], $0x1000  }
0x1f: {  	s16 =	sadd.s32 $0xFFFFFFFF, s31;
	[sflag:s5] =	ssyncset.done $0x0  }
.LBB2_1:
0x20: {  	p0 =	sne.s32 s16, $0x1;
	s16 =	sadd.s32 $0xFFFFFFFF, s16;
	[sflag:s5] =	ssyncadd.s32 $0xFFFFF000  }
0x21: {  	[tilespmem:s4], [sflag:$0x3] =	stream.linear.gather [hbm4b:s6+s4], $0x20, $0x38;
	[tilespmem:$0x2100] =	vst v63  }
0x22: {  	_ =	swait.ge [sflag:s5], $0x20  }
0x23: {  	[sflag:s5] =	ssyncset.done $0x0  }
0x24: {  	[sflag:s5] =	ssyncadd.s32 $0xFFFFFFE0  }
0x25: {  	[tilespmem:s8], [sflag:$0x3] =	stream.linear.gather [hbm4b:s7+s4], $0x20, $0x38;
	[tilespmem:$0x2100] =	vst v63  }
0x26: {  	_ =	swait.ge [sflag:s5], $0x20  }
0x27: {  	[sflag:s5] =	ssyncset.done $0x0  }
0x28: {  	[sflag:s5] =	ssyncadd.s32 $0xFFFFFFE0  }
0x29: {  	[tilespmem:s10], [sflag:$0x1] =	stream.indirect.gather [hbm4b:s2+s9], $0x80, s4, s9, $0xb8;
	[tilespmem:$0x2100] =	vst v63  }
0x2a: {  	_ = 	snop  }
0x2b: {  	[tilespmem:s11], [sflag:$0x2] =	stream.indirect.gather [hbm4b:s3+s9], $0x80, s8, s9, $0xb8;
	[tilespmem:$0x2100] =	vst v63  }
0x2c: {  	_ =	swait.ge [sflag:s12], $0x1000  }
0x2d: {  	[sflag:s12] =	ssyncset.done $0x0  }
0x2e: {  	[sflag:s12] =	ssyncadd.s32 $0xFFFFF000  }
0x2f: {  	_ =	swait.ge [sflag:s13], $0x1000  }
0x30: {  	[sflag:s13] =	ssyncset.done $0x0  }
0x31: {  	[sflag:s13] =	ssyncadd.s32 $0xFFFFF000  }
0x32: {  	[hbm4b:s14+s4] =	stream.linear.scatter [tilespmem:s10], [sflag:$0x3], $0x1000, $0x38;
	[tilespmem:$0x2100] =	vst v63  }
0x33: {  	_ =	swait.ge [sflag:s5], $0x1000  }
.Ltmp1:
0x34: {  	[sflag:s5] =	ssyncset.done $0x0;
	(pc) =	sbr.rel @p0 .LBB2_1-.Ltmp1, $4  }
0x35: {  	[sflag:s5] =	ssyncadd.s32 $0xFFFFF000  }
0x36: {  	[hbm4b:s15+s4] =	stream.linear.scatter [tilespmem:s11], [sflag:$0x3], $0x1000, $0x38;
	[tilespmem:$0x2100] =	vst v63  }
0x37: {  	_ =	swait.ge [sflag:s5], $0x1000  }
0x38: {  	[sflag:s5] =	ssyncset.done $0x0  }
.LBB2_2:
0x39: {  	[sflag:s5] =	ssyncadd.s32 $0xFFFFF000  }
0x3a: {  	_ =	sfence.sel $0x180000  }
0x3b: {  	[bflag:$0x0] =	sbarrier.arrive $0xFFFF  }
0x3c: {  	p0 =	sne.s32 s0, $0x0;
	_ =	strace $0x90000047  }
0x3d: {  	s0 =	sadd.s32 @!p0 $0x100000, s1;
	[bflag:$0x2] =	sbarrier.arrive $0xFFFF  }
0x3e: {  	[sflag:s0] =	ssyncadd.tile.s32 @!p0 $0x1;
	_ =	shalt  }
.Lfunc_end2:
_tile_overlayer_lowered:
.L_overlay_start_2:
0x3f: {  	(tag) =	ssettag $0x2  }
0x40: {  	s0 =	rddreg [dreg:$0x0];
	s2 =	stileid.u32  }
0x41: {  	s1 =	rddreg [dreg:$0x1];
	p0 =	sne.s32 s2, $0x0  }
0x42: {  	s3 =	rddreg [dreg:$0x2];
	[bflag:$0x3] =	sbarrier.arrive $0xFFFF;
	s2 =	simm.s32 @!p0 $0x1C03  }
0x43: {  	[timem:s3], [sflag:s2] =	dma.local @!p0 [hbm:s0], s1  }
0x44: {  	s0 =	simm.s32 @!p0 $0x3  }
0x45: {  	_ =	swait.ge @!p0 [sflag:s0], s1  }
0x46: {  	s1 =	ssub.s32 @!p0 $0x0, s1;
	[sflag:s0] =	ssyncset.done @!p0 $0x0  }
0x47: {  	[sflag:s0] =	ssyncadd.s32 @!p0 s1  }
0x48: {  	[bflag:$0x3] =	sbarrier.arrive $0xFFFF  }
0x49: {  	_ =	shalt  }

</sc_bundles>
